<compile_context>
chip_gen: v7x
topology: tpu7x:2x2x1
jax: 0.10.2.dev20260603
libtpu: 0.0.44.dev20260713+nightly
codegen_flags: <defaults>
</compile_context>

<pallas_src>
import functools

import jax
import jax.numpy as jnp
from jax import lax
from jax.experimental import pallas as pl
from jax.experimental.pallas import tpu as pltpu
from jax.experimental.pallas import tpu_sc as plsc

_NC = 2
_NS = 16
_NW = _NC * _NS
_LANES = 16

_CHUNK = 5000
_NBUF = 1


def _sc_segment_sum(y, srcp, dstp, zeros, n_pad, kch):
    mesh = plsc.VectorSubcoreMesh(core_axis_name="c", subcore_axis_name="s")
    rows_per_tile = n_pad // _NS

    @functools.partial(
        pl.kernel,
        mesh=mesh,
        compiler_params=pltpu.CompilerParams(use_tc_tiling_on_sc=False,
                                             disable_bounds_checks=True),
        out_type=jax.ShapeDtypeStruct((_NC, n_pad, _LANES), jnp.float32),
        scratch_types=[
            pltpu.VMEM((kch, _CHUNK), jnp.int32),
            pltpu.VMEM((kch, _CHUNK), jnp.int32),
            pltpu.VMEM((_NBUF, _CHUNK, _LANES), jnp.float32),
            pltpu.VMEM_SHARED((n_pad, _LANES), jnp.float32),
            pltpu.VMEM_SHARED((n_pad, _LANES), jnp.float32),
        ],
    )
    def k(y_hbm, srcp_hbm, dstp_hbm, zeros_hbm, out_hbm,
          src_v, dst_v, buf_v, acc_sh, table_sh):
        cid = lax.axis_index("c")
        sid = lax.axis_index("s")
        wid = cid * _NS + sid

        row0 = sid * rows_per_tile
        pltpu.sync_copy(zeros_hbm.at[pl.ds(row0, rows_per_tile)],
                        acc_sh.at[pl.ds(row0, rows_per_tile)])
        pltpu.sync_copy(y_hbm.at[pl.ds(row0, rows_per_tile)],
                        table_sh.at[pl.ds(row0, rows_per_tile)])
        pltpu.sync_copy(srcp_hbm.at[wid], src_v)
        pltpu.sync_copy(dstp_hbm.at[wid], dst_v)
        plsc.subcore_barrier()

        for j in range(kch):
            pltpu.sync_copy(table_sh.at[src_v.at[j]], buf_v.at[0])
            pltpu.sync_copy(buf_v.at[0], acc_sh.at[dst_v.at[j]], add=True)
        plsc.subcore_barrier()

        pltpu.sync_copy(acc_sh.at[pl.ds(row0, rows_per_tile)],
                        out_hbm.at[cid, pl.ds(row0, rows_per_tile)])

    return k(y, srcp, dstp, zeros)


def _sc_segment_sum_direct(y, edge_index, zeros, n_pad, kch):
    mesh = plsc.VectorSubcoreMesh(core_axis_name="c", subcore_axis_name="s")
    rows_per_tile = n_pad // _NS
    per = kch * _CHUNK

    @functools.partial(
        pl.kernel,
        mesh=mesh,
        compiler_params=pltpu.CompilerParams(use_tc_tiling_on_sc=False,
                                             disable_bounds_checks=True),
        out_type=jax.ShapeDtypeStruct((_NC, n_pad, _LANES), jnp.float32),
        scratch_types=[
            pltpu.VMEM((per,), jnp.int32),
            pltpu.VMEM((per,), jnp.int32),
            pltpu.VMEM((_NBUF, _CHUNK, _LANES), jnp.float32),
            pltpu.VMEM_SHARED((n_pad, _LANES), jnp.float32),
            pltpu.VMEM_SHARED((n_pad, _LANES), jnp.float32),
        ],
    )
    def k(y_hbm, ei_hbm, zeros_hbm, out_hbm,
          src_v, dst_v, buf_v, acc_sh, table_sh):
        cid = lax.axis_index("c")
        sid = lax.axis_index("s")
        wid = cid * _NS + sid

        row0 = sid * rows_per_tile
        pltpu.sync_copy(zeros_hbm.at[pl.ds(row0, rows_per_tile)],
                        acc_sh.at[pl.ds(row0, rows_per_tile)])
        pltpu.sync_copy(y_hbm.at[pl.ds(row0, rows_per_tile)],
                        table_sh.at[pl.ds(row0, rows_per_tile)])
        e0 = pl.multiple_of(wid * per, 8)
        pltpu.sync_copy(ei_hbm.at[0, pl.ds(e0, per)], src_v)
        pltpu.sync_copy(ei_hbm.at[1, pl.ds(e0, per)], dst_v)
        plsc.subcore_barrier()

        for j in range(kch):
            sl = pl.ds(j * _CHUNK, _CHUNK)
            pltpu.sync_copy(table_sh.at[src_v.at[sl]], buf_v.at[0])
            pltpu.sync_copy(buf_v.at[0], acc_sh.at[dst_v.at[sl]], add=True)
        plsc.subcore_barrier()

        pltpu.sync_copy(acc_sh.at[pl.ds(row0, rows_per_tile)],
                        out_hbm.at[cid, pl.ds(row0, rows_per_tile)])

    return k(y, edge_index, zeros)


def _tc_input(x, w, n_pad):
    n = x.shape[0]
    def body(x_ref, w_ref, rel_ref, root_ref):
        y = jnp.dot(x_ref[...], w_ref[...], preferred_element_type=jnp.float32)
        rel_ref[pl.ds(0, n), :] = y[:, :_LANES]
        root_ref[...] = y[:, _LANES:]

    return pl.pallas_call(
        body,
        out_shape=(
            jax.ShapeDtypeStruct((n_pad, _LANES), jnp.float32),
            jax.ShapeDtypeStruct((n, _LANES), jnp.float32),
        ),
    )(x, w)


def _tc_mid(p1, y_root, b1, w2rel_t, w2root_t, n_pad):
    n = y_root.shape[0]
    def body(p1_ref, yr_ref, b1_ref, wrel_ref, wroot_ref,
             rel_ref, root_ref):
        h = p1_ref[0, pl.ds(0, n), :] + p1_ref[1, pl.ds(0, n), :] \
            + yr_ref[...] + b1_ref[...]
        h = jnp.maximum(h, 0.0)
        rel_ref[pl.ds(0, n), :] = jnp.dot(h, wrel_ref[...],
                                          preferred_element_type=jnp.float32)
        root_ref[...] = jnp.dot(h, wroot_ref[...],
                                preferred_element_type=jnp.float32)

    return pl.pallas_call(
        body,
        out_shape=(
            jax.ShapeDtypeStruct((n_pad, _LANES), jnp.float32),
            jax.ShapeDtypeStruct((n, _LANES), jnp.float32),
        ),
    )(p1, y_root, b1, w2rel_t, w2root_t)


def _tc_out(p2, y_root, b2, c, n_pad):
    n = y_root.shape[0]

    def body(p2_ref, yr_ref, b2_ref, out_ref):
        o = p2_ref[0, pl.ds(0, n), :] + p2_ref[1, pl.ds(0, n), :] \
            + yr_ref[...] + b2_ref[...]
        col = lax.broadcasted_iota(jnp.int32, o.shape, 1)
        mask = col < c
        neg = jnp.float32(-1e30)
        om = jnp.where(mask, o, neg)
        m = jnp.max(om, axis=1, keepdims=True)
        e = jnp.where(mask, jnp.exp(o - m), 0.0)
        s = jnp.sum(e, axis=1, keepdims=True)
        out_ref[...] = ((o - m) - jnp.log(s))[:, :c]

    return pl.pallas_call(
        body,
        out_shape=jax.ShapeDtypeStruct((n, c), jnp.float32),
    )(p2, y_root, b2)


def kernel(x, edge_index, W1_rel, b1_rel, W1_root, W2_rel, b2_rel, W2_root):
    n, d = x.shape
    h_dim = W1_rel.shape[0]
    c = W2_rel.shape[0]
    e = edge_index.shape[1]

    kch = -(-e // (_NW * _CHUNK))
    e_pad = _NW * kch * _CHUNK
    n_pad = -(-(n + 1) // 128) * 128

    pad = e_pad - e
    if pad:
        src = jnp.concatenate(
            [edge_index[0], jnp.zeros((pad,), jnp.int32)])
        trash = n + jnp.arange(pad, dtype=jnp.int32) % (n_pad - n)
        dst = jnp.concatenate([edge_index[1], trash])
        srcp = src.reshape(_NW, kch, _CHUNK)
        dstp = dst.reshape(_NW, kch, _CHUNK)

        def seg_sum(y, zeros):
            return _sc_segment_sum(y, srcp, dstp, zeros, n_pad, kch)
    else:
        def seg_sum(y, zeros):
            return _sc_segment_sum_direct(y, edge_index, zeros, n_pad, kch)

    zeros = jnp.zeros((n_pad, _LANES), jnp.float32)

    w1 = jnp.concatenate([W1_rel, W1_root], axis=0).T
    y_rel, y_root = _tc_input(x, w1, n_pad)

    p1 = seg_sum(y_rel, zeros)

    w2rel_t = jnp.zeros((h_dim, _LANES), jnp.float32).at[:, :c].set(W2_rel.T)
    w2root_t = jnp.zeros((h_dim, _LANES), jnp.float32).at[:, :c].set(W2_root.T)
    b1 = b1_rel.reshape(1, h_dim)
    y2_rel, y2_root = _tc_mid(p1, y_root, b1, w2rel_t, w2root_t, n_pad)

    p2 = seg_sum(y2_rel, zeros)

    b2 = jnp.zeros((1, _LANES), jnp.float32).at[0, :c].set(b2_rel)
    return _tc_out(p2, y2_root, b2, c, n_pad)

# --- scband reference (transcript-rebuilt; emitter-appended) ---
"""Pipeline reference for scband-net-46265387712704 (READ-ONLY COPY).

The authoritative reference and input builder live on the scoring server;
editing this copy changes nothing except your own understanding.
"""

import jax, jax.numpy as jnp
import numpy as np

N = 10000
E = 320000
D = 128
H = 16
C = 7


def setup_inputs(seed: int = 0) -> dict:
    key = jax.random.key(seed)
    ks = jax.random.split(key, 9)
    x = jax.random.normal(ks[0], (N, D), dtype=jnp.float32)
    edge_index = jax.random.randint(ks[1], (2, E), 0, N, dtype=jnp.int32)
    # GraphConv layer 1: lin_rel (with bias) applied to aggregated neighbors, lin_root (no bias) applied to self
    W1_rel = jax.random.normal(ks[2], (H, D), dtype=jnp.float32) * (1.0 / np.sqrt(D))
    b1_rel = jnp.zeros((H,), dtype=jnp.float32)
    W1_root = jax.random.normal(ks[3], (H, D), dtype=jnp.float32) * (1.0 / np.sqrt(D))
    # GraphConv layer 2
    W2_rel = jax.random.normal(ks[4], (C, H), dtype=jnp.float32) * (1.0 / np.sqrt(H))
    b2_rel = jnp.zeros((C,), dtype=jnp.float32)
    W2_root = jax.random.normal(ks[5], (C, H), dtype=jnp.float32) * (1.0 / np.sqrt(H))
    return {
        "x": x,
        "edge_index": edge_index,
        "W1_rel": W1_rel,
        "b1_rel": b1_rel,
        "W1_root": W1_root,
        "W2_rel": W2_rel,
        "b2_rel": b2_rel,
        "W2_root": W2_root,
    }


def graph_conv(x, src, dst, W_rel, b_rel, W_root):
    # PyG GraphConv (aggr='add'): out_i = W_rel @ sum_{j in N(i)} x_j + b_rel + W_root @ x_i
    msgs = x[src]  # gather over source nodes
    agg = jax.ops.segment_sum(msgs, dst, num_segments=N)  # scatter-add by destination
    return agg @ W_rel.T + b_rel + x @ W_root.T


def reference(x, edge_index, W1_rel, b1_rel, W1_root, W2_rel, b2_rel, W2_root):
    src = edge_index[0]
    dst = edge_index[1]
    h = graph_conv(x, src, dst, W1_rel, b1_rel, W1_root)
    h = jax.nn.relu(h)
    # dropout is identity in eval mode (training=False)
    o = graph_conv(h, src, dst, W2_rel, b2_rel, W2_root)
    return jax.nn.log_softmax(o, axis=1)

if __name__ == "__main__":
    import jax
    _d = setup_inputs()
    print(jax.jit(kernel)(*tuple(_d.values())))

</pallas_src>

<mosaic_0001>
#map = affine_map<(d0, d1) -> (0, 0)>
#map1 = affine_map<(d0, d1) -> (0, 0, 0)>
module attributes {stable_mosaic.version = 14 : i64} {
  func.func @k(%arg0: i32, %arg1: i32, %arg2: memref<10112x16xf32, #tpu.memory_space<hbm>>, %arg3: memref<2x320000xi32, #tpu.memory_space<hbm>>, %arg4: memref<10112x16xf32, #tpu.memory_space<hbm>>, %arg5: memref<2x10112x16xf32, #tpu.memory_space<hbm>>, %arg6: memref<10000xi32, #tpu.memory_space<vmem>>, %arg7: memref<10000xi32, #tpu.memory_space<vmem>>, %arg8: memref<1x5000x16xf32, #tpu.memory_space<vmem>>, %arg9: memref<10112x16xf32, #tpu.memory_space<vmem_shared>>, %arg10: memref<10112x16xf32, #tpu.memory_space<vmem_shared>>) attributes {dimension_semantics = [#tpu.dimension_semantics<core_parallel>, #tpu.dimension_semantics<subcore_parallel>], iteration_bounds = array<i64: 2, 16>, scalar_prefetch = 0 : i64, scratch_operands = 5 : i64, tpu.core_type = #tpu.core_type<sc_vector_subcore>, window_params = [{transform_indices = #map}, {transform_indices = #map}, {transform_indices = #map}, {transform_indices = #map1}]} {
    %mul3A = arith.constant 16 : i32
    %mul3A_0 = arith.muli %arg0, %mul3A : i32
    %add3A = arith.addi %mul3A_0, %arg1 : i32
    %mul3A_1 = arith.constant 632 : i32
    %mul3A_2 = arith.muli %arg1, %mul3A_1 : i32
    "tpu.region"() ({
      %run_scoped3A_11 = tpu.sem_alloc : memref<!tpu.dma_semaphore, #tpu.memory_space<semaphore_mem>>
      %dma_start3A = arith.constant 0 : i32
      %dma_start3A_12 = tpu.memref_slice %arg9[%mul3A_2, %dma_start3A] : memref<10112x16xf32, #tpu.memory_space<vmem_shared>> -> memref<632x16xf32, #tpu.memory_space<vmem_shared>>
      %dma_start3A_13 = arith.constant 0 : i32
      %dma_start3A_14 = tpu.memref_slice %arg4[%mul3A_2, %dma_start3A_13] : memref<10112x16xf32, #tpu.memory_space<hbm>> -> memref<632x16xf32, #tpu.memory_space<hbm>>
      tpu.enqueue_dma source(%dma_start3A_14 : memref<632x16xf32, #tpu.memory_space<hbm>>) target(%dma_start3A_12 : memref<632x16xf32, #tpu.memory_space<vmem_shared>>) target_semaphore(%run_scoped3A_11 : memref<!tpu.dma_semaphore, #tpu.memory_space<semaphore_mem>>)
      %dma_wait3A = arith.constant 0 : i32
      %dma_wait3A_15 = tpu.memref_slice %arg9[%mul3A_2, %dma_wait3A] : memref<10112x16xf32, #tpu.memory_space<vmem_shared>> -> memref<632x16xf32, #tpu.memory_space<vmem_shared>>
      %dma_wait3A_16 = arith.constant 0 : i32
      %dma_wait3A_17 = tpu.memref_slice %arg4[%mul3A_2, %dma_wait3A_16] : memref<10112x16xf32, #tpu.memory_space<hbm>> -> memref<632x16xf32, #tpu.memory_space<hbm>>
      tpu.wait_dma2 semaphore(%run_scoped3A_11 : memref<!tpu.dma_semaphore, #tpu.memory_space<semaphore_mem>>) src(%dma_wait3A_17 : memref<632x16xf32, #tpu.memory_space<hbm>>) dst(%dma_wait3A_15 : memref<632x16xf32, #tpu.memory_space<vmem_shared>>)
      tpu.yield
    }) : () -> ()
    "tpu.region"() ({
      %run_scoped3A_11 = tpu.sem_alloc : memref<!tpu.dma_semaphore, #tpu.memory_space<semaphore_mem>>
      %dma_start3A = arith.constant 0 : i32
      %dma_start3A_12 = tpu.memref_slice %arg10[%mul3A_2, %dma_start3A] : memref<10112x16xf32, #tpu.memory_space<vmem_shared>> -> memref<632x16xf32, #tpu.memory_space<vmem_shared>>
      %dma_start3A_13 = arith.constant 0 : i32
      %dma_start3A_14 = tpu.memref_slice %arg2[%mul3A_2, %dma_start3A_13] : memref<10112x16xf32, #tpu.memory_space<hbm>> -> memref<632x16xf32, #tpu.memory_space<hbm>>
      tpu.enqueue_dma source(%dma_start3A_14 : memref<632x16xf32, #tpu.memory_space<hbm>>) target(%dma_start3A_12 : memref<632x16xf32, #tpu.memory_space<vmem_shared>>) target_semaphore(%run_scoped3A_11 : memref<!tpu.dma_semaphore, #tpu.memory_space<semaphore_mem>>)
      %dma_wait3A = arith.constant 0 : i32
      %dma_wait3A_15 = tpu.memref_slice %arg10[%mul3A_2, %dma_wait3A] : memref<10112x16xf32, #tpu.memory_space<vmem_shared>> -> memref<632x16xf32, #tpu.memory_space<vmem_shared>>
      %dma_wait3A_16 = arith.constant 0 : i32
      %dma_wait3A_17 = tpu.memref_slice %arg2[%mul3A_2, %dma_wait3A_16] : memref<10112x16xf32, #tpu.memory_space<hbm>> -> memref<632x16xf32, #tpu.memory_space<hbm>>
      tpu.wait_dma2 semaphore(%run_scoped3A_11 : memref<!tpu.dma_semaphore, #tpu.memory_space<semaphore_mem>>) src(%dma_wait3A_17 : memref<632x16xf32, #tpu.memory_space<hbm>>) dst(%dma_wait3A_15 : memref<632x16xf32, #tpu.memory_space<vmem_shared>>)
      tpu.yield
    }) : () -> ()
    %mul3A_3 = arith.constant 10000 : i32
    %mul3A_4 = arith.muli %add3A, %mul3A_3 : i32
    %multiple_of3A = tpu.assume_multiple %mul3A_4, 8 : i32
    %run_scoped3A = arith.constant 0 : i32
    "tpu.region"() ({
      %run_scoped3A_11 = tpu.sem_alloc : memref<!tpu.dma_semaphore, #tpu.memory_space<semaphore_mem>>
      %dma_start3A = tpu.memref_slice %arg3[%run_scoped3A, %multiple_of3A] : memref<2x320000xi32, #tpu.memory_space<hbm>> -> memref<1x10000xi32, #tpu.memory_space<hbm>>
      %dma_start3A_12 = tpu.memref_squeeze %dma_start3A : memref<1x10000xi32, #tpu.memory_space<hbm>> -> memref<10000xi32, #tpu.memory_space<hbm>>
      %dma_start3A_13 = tpu.memref_slice %arg3[%run_scoped3A, %multiple_of3A] : memref<2x320000xi32, #tpu.memory_space<hbm>> -> memref<1x10000xi32, #tpu.memory_space<hbm>>
      %dma_start3A_14 = tpu.memref_squeeze %dma_start3A_13 : memref<1x10000xi32, #tpu.memory_space<hbm>> -> memref<10000xi32, #tpu.memory_space<hbm>>
      tpu.enqueue_dma source(%dma_start3A_14 : memref<10000xi32, #tpu.memory_space<hbm>>) target(%arg6 : memref<10000xi32, #tpu.memory_space<vmem>>) target_semaphore(%run_scoped3A_11 : memref<!tpu.dma_semaphore, #tpu.memory_space<semaphore_mem>>)
      %dma_wait3A = tpu.memref_slice %arg3[%run_scoped3A, %multiple_of3A] : memref<2x320000xi32, #tpu.memory_space<hbm>> -> memref<1x10000xi32, #tpu.memory_space<hbm>>
      %dma_wait3A_15 = tpu.memref_squeeze %dma_wait3A : memref<1x10000xi32, #tpu.memory_space<hbm>> -> memref<10000xi32, #tpu.memory_space<hbm>>
      %dma_wait3A_16 = tpu.memref_slice %arg3[%run_scoped3A, %multiple_of3A] : memref<2x320000xi32, #tpu.memory_space<hbm>> -> memref<1x10000xi32, #tpu.memory_space<hbm>>
      %dma_wait3A_17 = tpu.memref_squeeze %dma_wait3A_16 : memref<1x10000xi32, #tpu.memory_space<hbm>> -> memref<10000xi32, #tpu.memory_space<hbm>>
      tpu.wait_dma2 semaphore(%run_scoped3A_11 : memref<!tpu.dma_semaphore, #tpu.memory_space<semaphore_mem>>) src(%dma_wait3A_17 : memref<10000xi32, #tpu.memory_space<hbm>>) dst(%arg6 : memref<10000xi32, #tpu.memory_space<vmem>>)
      tpu.yield
    }) : () -> ()
    %run_scoped3A_5 = arith.constant 1 : i32
    "tpu.region"() ({
      %run_scoped3A_11 = tpu.sem_alloc : memref<!tpu.dma_semaphore, #tpu.memory_space<semaphore_mem>>
      %dma_start3A = tpu.memref_slice %arg3[%run_scoped3A_5, %multiple_of3A] : memref<2x320000xi32, #tpu.memory_space<hbm>> -> memref<1x10000xi32, #tpu.memory_space<hbm>>
      %dma_start3A_12 = tpu.memref_squeeze %dma_start3A : memref<1x10000xi32, #tpu.memory_space<hbm>> -> memref<10000xi32, #tpu.memory_space<hbm>>
      %dma_start3A_13 = tpu.memref_slice %arg3[%run_scoped3A_5, %multiple_of3A] : memref<2x320000xi32, #tpu.memory_space<hbm>> -> memref<1x10000xi32, #tpu.memory_space<hbm>>
      %dma_start3A_14 = tpu.memref_squeeze %dma_start3A_13 : memref<1x10000xi32, #tpu.memory_space<hbm>> -> memref<10000xi32, #tpu.memory_space<hbm>>
      tpu.enqueue_dma source(%dma_start3A_14 : memref<10000xi32, #tpu.memory_space<hbm>>) target(%arg7 : memref<10000xi32, #tpu.memory_space<vmem>>) target_semaphore(%run_scoped3A_11 : memref<!tpu.dma_semaphore, #tpu.memory_space<semaphore_mem>>)
      %dma_wait3A = tpu.memref_slice %arg3[%run_scoped3A_5, %multiple_of3A] : memref<2x320000xi32, #tpu.memory_space<hbm>> -> memref<1x10000xi32, #tpu.memory_space<hbm>>
      %dma_wait3A_15 = tpu.memref_squeeze %dma_wait3A : memref<1x10000xi32, #tpu.memory_space<hbm>> -> memref<10000xi32, #tpu.memory_space<hbm>>
      %dma_wait3A_16 = tpu.memref_slice %arg3[%run_scoped3A_5, %multiple_of3A] : memref<2x320000xi32, #tpu.memory_space<hbm>> -> memref<1x10000xi32, #tpu.memory_space<hbm>>
      %dma_wait3A_17 = tpu.memref_squeeze %dma_wait3A_16 : memref<1x10000xi32, #tpu.memory_space<hbm>> -> memref<10000xi32, #tpu.memory_space<hbm>>
      tpu.wait_dma2 semaphore(%run_scoped3A_11 : memref<!tpu.dma_semaphore, #tpu.memory_space<semaphore_mem>>) src(%dma_wait3A_17 : memref<10000xi32, #tpu.memory_space<hbm>>) dst(%arg7 : memref<10000xi32, #tpu.memory_space<vmem>>)
      tpu.yield
    }) : () -> ()
    %barrier3A = arith.constant 0 : index
    tpu.barrier barrier_id(%barrier3A)
    %run_scoped3A_6 = arith.constant 0 : i32
    "tpu.region"() ({
      %run_scoped3A_11 = tpu.sem_alloc : memref<!tpu.dma_semaphore, #tpu.memory_space<semaphore_mem>>
      %dma_start3A = arith.constant 0 : i32
      %dma_start3A_12 = arith.constant 0 : i32
      %dma_start3A_13 = tpu.memref_slice %arg8[%run_scoped3A_6, %dma_start3A, %dma_start3A_12] : memref<1x5000x16xf32, #tpu.memory_space<vmem>> -> memref<1x5000x16xf32, #tpu.memory_space<vmem>>
      %dma_start3A_14 = tpu.memref_squeeze %dma_start3A_13 : memref<1x5000x16xf32, #tpu.memory_space<vmem>> -> memref<5000x16xf32, #tpu.memory_space<vmem>>
      %dma_start3A_15 = arith.constant 0 : i32
      %dma_start3A_16 = tpu.memref_slice %arg6[%dma_start3A_15] : memref<10000xi32, #tpu.memory_space<vmem>> -> memref<5000xi32, #tpu.memory_space<vmem>>
      %dma_start3A_17 = arith.constant 0 : i32
      %dma_start3A_18 = arith.constant 0 : i32
      %dma_start3A_19 = tpu.memref_slice %arg10[%dma_start3A_17, %dma_start3A_18] : memref<10112x16xf32, #tpu.memory_space<vmem_shared>> -> memref<10112x16xf32, #tpu.memory_space<vmem_shared>>
      tpu.enqueue_indirect_dma source(%dma_start3A_19 : memref<10112x16xf32, #tpu.memory_space<vmem_shared>>) target(%dma_start3A_14 : memref<5000x16xf32, #tpu.memory_space<vmem>>) offsets(%dma_start3A_16 : memref<5000xi32, #tpu.memory_space<vmem>>) semaphore(%run_scoped3A_11 : memref<!tpu.dma_semaphore, #tpu.memory_space<semaphore_mem>>)
      %dma_wait3A = arith.constant 0 : i32
      %dma_wait3A_20 = arith.constant 0 : i32
      %dma_wait3A_21 = tpu.memref_slice %arg8[%run_scoped3A_6, %dma_wait3A, %dma_wait3A_20] : memref<1x5000x16xf32, #tpu.memory_space<vmem>> -> memref<1x5000x16xf32, #tpu.memory_space<vmem>>
      %dma_wait3A_22 = tpu.memref_squeeze %dma_wait3A_21 : memref<1x5000x16xf32, #tpu.memory_space<vmem>> -> memref<5000x16xf32, #tpu.memory_space<vmem>>
      %dma_wait3A_23 = arith.constant 0 : i32
      %dma_wait3A_24 = tpu.memref_slice %arg6[%dma_wait3A_23] : memref<10000xi32, #tpu.memory_space<vmem>> -> memref<5000xi32, #tpu.memory_space<vmem>>
      %dma_wait3A_25 = arith.constant 0 : i32
      %dma_wait3A_26 = arith.constant 0 : i32
      %dma_wait3A_27 = tpu.memref_slice %arg10[%dma_wait3A_25, %dma_wait3A_26] : memref<10112x16xf32, #tpu.memory_space<vmem_shared>> -> memref<10112x16xf32, #tpu.memory_space<vmem_shared>>
      tpu.wait_indirect_dma semaphore(%run_scoped3A_11 : memref<!tpu.dma_semaphore, #tpu.memory_space<semaphore_mem>>) src(%dma_wait3A_27 : memref<10112x16xf32, #tpu.memory_space<vmem_shared>>) dst(%dma_wait3A_22 : memref<5000x16xf32, #tpu.memory_space<vmem>>)
      tpu.yield
    }) : () -> ()
    %run_scoped3A_7 = arith.constant 0 : i32
    "tpu.region"() ({
      %run_scoped3A_11 = tpu.sem_alloc : memref<!tpu.dma_semaphore, #tpu.memory_space<semaphore_mem>>
      %dma_start3A = arith.constant 0 : i32
      %dma_start3A_12 = arith.constant 0 : i32
      %dma_start3A_13 = tpu.memref_slice %arg8[%run_scoped3A_7, %dma_start3A, %dma_start3A_12] : memref<1x5000x16xf32, #tpu.memory_space<vmem>> -> memref<1x5000x16xf32, #tpu.memory_space<vmem>>
      %dma_start3A_14 = tpu.memref_squeeze %dma_start3A_13 : memref<1x5000x16xf32, #tpu.memory_space<vmem>> -> memref<5000x16xf32, #tpu.memory_space<vmem>>
      %dma_start3A_15 = arith.constant 0 : i32
      %dma_start3A_16 = tpu.memref_slice %arg7[%dma_start3A_15] : memref<10000xi32, #tpu.memory_space<vmem>> -> memref<5000xi32, #tpu.memory_space<vmem>>
      %dma_start3A_17 = arith.constant 0 : i32
      %dma_start3A_18 = arith.constant 0 : i32
      %dma_start3A_19 = tpu.memref_slice %arg9[%dma_start3A_17, %dma_start3A_18] : memref<10112x16xf32, #tpu.memory_space<vmem_shared>> -> memref<10112x16xf32, #tpu.memory_space<vmem_shared>>
      tpu.enqueue_indirect_dma source(%dma_start3A_14 : memref<5000x16xf32, #tpu.memory_space<vmem>>) target(%dma_start3A_19 : memref<10112x16xf32, #tpu.memory_space<vmem_shared>>) offsets(%dma_start3A_16 : memref<5000xi32, #tpu.memory_space<vmem>>) semaphore(%run_scoped3A_11 : memref<!tpu.dma_semaphore, #tpu.memory_space<semaphore_mem>>) {add = true}
      %dma_wait3A = arith.constant 0 : i32
      %dma_wait3A_20 = arith.constant 0 : i32
      %dma_wait3A_21 = tpu.memref_slice %arg8[%run_scoped3A_7, %dma_wait3A, %dma_wait3A_20] : memref<1x5000x16xf32, #tpu.memory_space<vmem>> -> memref<1x5000x16xf32, #tpu.memory_space<vmem>>
      %dma_wait3A_22 = tpu.memref_squeeze %dma_wait3A_21 : memref<1x5000x16xf32, #tpu.memory_space<vmem>> -> memref<5000x16xf32, #tpu.memory_space<vmem>>
      %dma_wait3A_23 = arith.constant 0 : i32
      %dma_wait3A_24 = tpu.memref_slice %arg7[%dma_wait3A_23] : memref<10000xi32, #tpu.memory_space<vmem>> -> memref<5000xi32, #tpu.memory_space<vmem>>
      %dma_wait3A_25 = arith.constant 0 : i32
      %dma_wait3A_26 = arith.constant 0 : i32
      %dma_wait3A_27 = tpu.memref_slice %arg9[%dma_wait3A_25, %dma_wait3A_26] : memref<10112x16xf32, #tpu.memory_space<vmem_shared>> -> memref<10112x16xf32, #tpu.memory_space<vmem_shared>>
      tpu.wait_indirect_dma semaphore(%run_scoped3A_11 : memref<!tpu.dma_semaphore, #tpu.memory_space<semaphore_mem>>) src(%dma_wait3A_22 : memref<5000x16xf32, #tpu.memory_space<vmem>>) dst(%dma_wait3A_27 : memref<10112x16xf32, #tpu.memory_space<vmem_shared>>)
      tpu.yield
    }) : () -> ()
    %run_scoped3A_8 = arith.constant 0 : i32
    "tpu.region"() ({
      %run_scoped3A_11 = tpu.sem_alloc : memref<!tpu.dma_semaphore, #tpu.memory_space<semaphore_mem>>
      %dma_start3A = arith.constant 0 : i32
      %dma_start3A_12 = arith.constant 0 : i32
      %dma_start3A_13 = tpu.memref_slice %arg8[%run_scoped3A_8, %dma_start3A, %dma_start3A_12] : memref<1x5000x16xf32, #tpu.memory_space<vmem>> -> memref<1x5000x16xf32, #tpu.memory_space<vmem>>
      %dma_start3A_14 = tpu.memref_squeeze %dma_start3A_13 : memref<1x5000x16xf32, #tpu.memory_space<vmem>> -> memref<5000x16xf32, #tpu.memory_space<vmem>>
      %dma_start3A_15 = arith.constant 5000 : i32
      %dma_start3A_16 = tpu.memref_slice %arg6[%dma_start3A_15] : memref<10000xi32, #tpu.memory_space<vmem>> -> memref<5000xi32, #tpu.memory_space<vmem>>
      %dma_start3A_17 = arith.constant 0 : i32
      %dma_start3A_18 = arith.constant 0 : i32
      %dma_start3A_19 = tpu.memref_slice %arg10[%dma_start3A_17, %dma_start3A_18] : memref<10112x16xf32, #tpu.memory_space<vmem_shared>> -> memref<10112x16xf32, #tpu.memory_space<vmem_shared>>
      tpu.enqueue_indirect_dma source(%dma_start3A_19 : memref<10112x16xf32, #tpu.memory_space<vmem_shared>>) target(%dma_start3A_14 : memref<5000x16xf32, #tpu.memory_space<vmem>>) offsets(%dma_start3A_16 : memref<5000xi32, #tpu.memory_space<vmem>>) semaphore(%run_scoped3A_11 : memref<!tpu.dma_semaphore, #tpu.memory_space<semaphore_mem>>)
      %dma_wait3A = arith.constant 0 : i32
      %dma_wait3A_20 = arith.constant 0 : i32
      %dma_wait3A_21 = tpu.memref_slice %arg8[%run_scoped3A_8, %dma_wait3A, %dma_wait3A_20] : memref<1x5000x16xf32, #tpu.memory_space<vmem>> -> memref<1x5000x16xf32, #tpu.memory_space<vmem>>
      %dma_wait3A_22 = tpu.memref_squeeze %dma_wait3A_21 : memref<1x5000x16xf32, #tpu.memory_space<vmem>> -> memref<5000x16xf32, #tpu.memory_space<vmem>>
      %dma_wait3A_23 = arith.constant 5000 : i32
      %dma_wait3A_24 = tpu.memref_slice %arg6[%dma_wait3A_23] : memref<10000xi32, #tpu.memory_space<vmem>> -> memref<5000xi32, #tpu.memory_space<vmem>>
      %dma_wait3A_25 = arith.constant 0 : i32
      %dma_wait3A_26 = arith.constant 0 : i32
      %dma_wait3A_27 = tpu.memref_slice %arg10[%dma_wait3A_25, %dma_wait3A_26] : memref<10112x16xf32, #tpu.memory_space<vmem_shared>> -> memref<10112x16xf32, #tpu.memory_space<vmem_shared>>
      tpu.wait_indirect_dma semaphore(%run_scoped3A_11 : memref<!tpu.dma_semaphore, #tpu.memory_space<semaphore_mem>>) src(%dma_wait3A_27 : memref<10112x16xf32, #tpu.memory_space<vmem_shared>>) dst(%dma_wait3A_22 : memref<5000x16xf32, #tpu.memory_space<vmem>>)
      tpu.yield
    }) : () -> ()
    %run_scoped3A_9 = arith.constant 0 : i32
    "tpu.region"() ({
      %run_scoped3A_11 = tpu.sem_alloc : memref<!tpu.dma_semaphore, #tpu.memory_space<semaphore_mem>>
      %dma_start3A = arith.constant 0 : i32
      %dma_start3A_12 = arith.constant 0 : i32
      %dma_start3A_13 = tpu.memref_slice %arg8[%run_scoped3A_9, %dma_start3A, %dma_start3A_12] : memref<1x5000x16xf32, #tpu.memory_space<vmem>> -> memref<1x5000x16xf32, #tpu.memory_space<vmem>>
      %dma_start3A_14 = tpu.memref_squeeze %dma_start3A_13 : memref<1x5000x16xf32, #tpu.memory_space<vmem>> -> memref<5000x16xf32, #tpu.memory_space<vmem>>
      %dma_start3A_15 = arith.constant 5000 : i32
      %dma_start3A_16 = tpu.memref_slice %arg7[%dma_start3A_15] : memref<10000xi32, #tpu.memory_space<vmem>> -> memref<5000xi32, #tpu.memory_space<vmem>>
      %dma_start3A_17 = arith.constant 0 : i32
      %dma_start3A_18 = arith.constant 0 : i32
      %dma_start3A_19 = tpu.memref_slice %arg9[%dma_start3A_17, %dma_start3A_18] : memref<10112x16xf32, #tpu.memory_space<vmem_shared>> -> memref<10112x16xf32, #tpu.memory_space<vmem_shared>>
      tpu.enqueue_indirect_dma source(%dma_start3A_14 : memref<5000x16xf32, #tpu.memory_space<vmem>>) target(%dma_start3A_19 : memref<10112x16xf32, #tpu.memory_space<vmem_shared>>) offsets(%dma_start3A_16 : memref<5000xi32, #tpu.memory_space<vmem>>) semaphore(%run_scoped3A_11 : memref<!tpu.dma_semaphore, #tpu.memory_space<semaphore_mem>>) {add = true}
      %dma_wait3A = arith.constant 0 : i32
      %dma_wait3A_20 = arith.constant 0 : i32
      %dma_wait3A_21 = tpu.memref_slice %arg8[%run_scoped3A_9, %dma_wait3A, %dma_wait3A_20] : memref<1x5000x16xf32, #tpu.memory_space<vmem>> -> memref<1x5000x16xf32, #tpu.memory_space<vmem>>
      %dma_wait3A_22 = tpu.memref_squeeze %dma_wait3A_21 : memref<1x5000x16xf32, #tpu.memory_space<vmem>> -> memref<5000x16xf32, #tpu.memory_space<vmem>>
      %dma_wait3A_23 = arith.constant 5000 : i32
      %dma_wait3A_24 = tpu.memref_slice %arg7[%dma_wait3A_23] : memref<10000xi32, #tpu.memory_space<vmem>> -> memref<5000xi32, #tpu.memory_space<vmem>>
      %dma_wait3A_25 = arith.constant 0 : i32
      %dma_wait3A_26 = arith.constant 0 : i32
      %dma_wait3A_27 = tpu.memref_slice %arg9[%dma_wait3A_25, %dma_wait3A_26] : memref<10112x16xf32, #tpu.memory_space<vmem_shared>> -> memref<10112x16xf32, #tpu.memory_space<vmem_shared>>
      tpu.wait_indirect_dma semaphore(%run_scoped3A_11 : memref<!tpu.dma_semaphore, #tpu.memory_space<semaphore_mem>>) src(%dma_wait3A_22 : memref<5000x16xf32, #tpu.memory_space<vmem>>) dst(%dma_wait3A_27 : memref<10112x16xf32, #tpu.memory_space<vmem_shared>>)
      tpu.yield
    }) : () -> ()
    %barrier3A_10 = arith.constant 0 : index
    tpu.barrier barrier_id(%barrier3A_10)
    "tpu.region"() ({
      %run_scoped3A_11 = tpu.sem_alloc : memref<!tpu.dma_semaphore, #tpu.memory_space<semaphore_mem>>
      %dma_start3A = arith.constant 0 : i32
      %dma_start3A_12 = tpu.memref_slice %arg5[%arg0, %mul3A_2, %dma_start3A] : memref<2x10112x16xf32, #tpu.memory_space<hbm>> -> memref<1x632x16xf32, #tpu.memory_space<hbm>>
      %dma_start3A_13 = tpu.memref_squeeze %dma_start3A_12 : memref<1x632x16xf32, #tpu.memory_space<hbm>> -> memref<632x16xf32, #tpu.memory_space<hbm>>
      %dma_start3A_14 = arith.constant 0 : i32
      %dma_start3A_15 = tpu.memref_slice %arg9[%mul3A_2, %dma_start3A_14] : memref<10112x16xf32, #tpu.memory_space<vmem_shared>> -> memref<632x16xf32, #tpu.memory_space<vmem_shared>>
      tpu.enqueue_dma source(%dma_start3A_15 : memref<632x16xf32, #tpu.memory_space<vmem_shared>>) target(%dma_start3A_13 : memref<632x16xf32, #tpu.memory_space<hbm>>) target_semaphore(%run_scoped3A_11 : memref<!tpu.dma_semaphore, #tpu.memory_space<semaphore_mem>>)
      %dma_wait3A = arith.constant 0 : i32
      %dma_wait3A_16 = tpu.memref_slice %arg5[%arg0, %mul3A_2, %dma_wait3A] : memref<2x10112x16xf32, #tpu.memory_space<hbm>> -> memref<1x632x16xf32, #tpu.memory_space<hbm>>
      %dma_wait3A_17 = tpu.memref_squeeze %dma_wait3A_16 : memref<1x632x16xf32, #tpu.memory_space<hbm>> -> memref<632x16xf32, #tpu.memory_space<hbm>>
      %dma_wait3A_18 = arith.constant 0 : i32
      %dma_wait3A_19 = tpu.memref_slice %arg9[%mul3A_2, %dma_wait3A_18] : memref<10112x16xf32, #tpu.memory_space<vmem_shared>> -> memref<632x16xf32, #tpu.memory_space<vmem_shared>>
      tpu.wait_dma2 semaphore(%run_scoped3A_11 : memref<!tpu.dma_semaphore, #tpu.memory_space<semaphore_mem>>) src(%dma_wait3A_19 : memref<632x16xf32, #tpu.memory_space<vmem_shared>>) dst(%dma_wait3A_17 : memref<632x16xf32, #tpu.memory_space<hbm>>)
      tpu.yield
    }) : () -> ()
    return
  }
}

#map = affine_map<(d0, d1) -> (0, 0)>
#map1 = affine_map<(d0, d1) -> (0, 0, 0)>
module attributes {stable_mosaic.version = 14 : i64} {
  func.func @k(%arg0: i32, %arg1: i32, %arg2: memref<10112x16xf32, #tpu.memory_space<hbm>>, %arg3: memref<2x320000xi32, #tpu.memory_space<hbm>>, %arg4: memref<10112x16xf32, #tpu.memory_space<hbm>>, %arg5: memref<2x10112x16xf32, #tpu.memory_space<hbm>>, %arg6: memref<10000xi32, #tpu.memory_space<vmem>>, %arg7: memref<10000xi32, #tpu.memory_space<vmem>>, %arg8: memref<1x5000x16xf32, #tpu.memory_space<vmem>>, %arg9: memref<10112x16xf32, #tpu.memory_space<vmem_shared>>, %arg10: memref<10112x16xf32, #tpu.memory_space<vmem_shared>>) attributes {dimension_semantics = [#tpu.dimension_semantics<core_parallel>, #tpu.dimension_semantics<subcore_parallel>], iteration_bounds = array<i64: 2, 16>, scalar_prefetch = 0 : i64, scratch_operands = 5 : i64, tpu.core_type = #tpu.core_type<sc_vector_subcore>, window_params = [{transform_indices = #map}, {transform_indices = #map}, {transform_indices = #map}, {transform_indices = #map1}]} {
    %mul3A = arith.constant 16 : i32
    %mul3A_0 = arith.muli %arg0, %mul3A : i32
    %add3A = arith.addi %mul3A_0, %arg1 : i32
    %mul3A_1 = arith.constant 632 : i32
    %mul3A_2 = arith.muli %arg1, %mul3A_1 : i32
    "tpu.region"() ({
      %run_scoped3A_11 = tpu.sem_alloc : memref<!tpu.dma_semaphore, #tpu.memory_space<semaphore_mem>>
      %dma_start3A = arith.constant 0 : i32
      %dma_start3A_12 = tpu.memref_slice %arg9[%mul3A_2, %dma_start3A] : memref<10112x16xf32, #tpu.memory_space<vmem_shared>> -> memref<632x16xf32, #tpu.memory_space<vmem_shared>>
      %dma_start3A_13 = arith.constant 0 : i32
      %dma_start3A_14 = tpu.memref_slice %arg4[%mul3A_2, %dma_start3A_13] : memref<10112x16xf32, #tpu.memory_space<hbm>> -> memref<632x16xf32, #tpu.memory_space<hbm>>
      tpu.enqueue_dma source(%dma_start3A_14 : memref<632x16xf32, #tpu.memory_space<hbm>>) target(%dma_start3A_12 : memref<632x16xf32, #tpu.memory_space<vmem_shared>>) target_semaphore(%run_scoped3A_11 : memref<!tpu.dma_semaphore, #tpu.memory_space<semaphore_mem>>)
      %dma_wait3A = arith.constant 0 : i32
      %dma_wait3A_15 = tpu.memref_slice %arg9[%mul3A_2, %dma_wait3A] : memref<10112x16xf32, #tpu.memory_space<vmem_shared>> -> memref<632x16xf32, #tpu.memory_space<vmem_shared>>
      %dma_wait3A_16 = arith.constant 0 : i32
      %dma_wait3A_17 = tpu.memref_slice %arg4[%mul3A_2, %dma_wait3A_16] : memref<10112x16xf32, #tpu.memory_space<hbm>> -> memref<632x16xf32, #tpu.memory_space<hbm>>
      tpu.wait_dma2 semaphore(%run_scoped3A_11 : memref<!tpu.dma_semaphore, #tpu.memory_space<semaphore_mem>>) src(%dma_wait3A_17 : memref<632x16xf32, #tpu.memory_space<hbm>>) dst(%dma_wait3A_15 : memref<632x16xf32, #tpu.memory_space<vmem_shared>>)
      tpu.yield
    }) : () -> ()
    "tpu.region"() ({
      %run_scoped3A_11 = tpu.sem_alloc : memref<!tpu.dma_semaphore, #tpu.memory_space<semaphore_mem>>
      %dma_start3A = arith.constant 0 : i32
      %dma_start3A_12 = tpu.memref_slice %arg10[%mul3A_2, %dma_start3A] : memref<10112x16xf32, #tpu.memory_space<vmem_shared>> -> memref<632x16xf32, #tpu.memory_space<vmem_shared>>
      %dma_start3A_13 = arith.constant 0 : i32
      %dma_start3A_14 = tpu.memref_slice %arg2[%mul3A_2, %dma_start3A_13] : memref<10112x16xf32, #tpu.memory_space<hbm>> -> memref<632x16xf32, #tpu.memory_space<hbm>>
      tpu.enqueue_dma source(%dma_start3A_14 : memref<632x16xf32, #tpu.memory_space<hbm>>) target(%dma_start3A_12 : memref<632x16xf32, #tpu.memory_space<vmem_shared>>) target_semaphore(%run_scoped3A_11 : memref<!tpu.dma_semaphore, #tpu.memory_space<semaphore_mem>>)
      %dma_wait3A = arith.constant 0 : i32
      %dma_wait3A_15 = tpu.memref_slice %arg10[%mul3A_2, %dma_wait3A] : memref<10112x16xf32, #tpu.memory_space<vmem_shared>> -> memref<632x16xf32, #tpu.memory_space<vmem_shared>>
      %dma_wait3A_16 = arith.constant 0 : i32
      %dma_wait3A_17 = tpu.memref_slice %arg2[%mul3A_2, %dma_wait3A_16] : memref<10112x16xf32, #tpu.memory_space<hbm>> -> memref<632x16xf32, #tpu.memory_space<hbm>>
      tpu.wait_dma2 semaphore(%run_scoped3A_11 : memref<!tpu.dma_semaphore, #tpu.memory_space<semaphore_mem>>) src(%dma_wait3A_17 : memref<632x16xf32, #tpu.memory_space<hbm>>) dst(%dma_wait3A_15 : memref<632x16xf32, #tpu.memory_space<vmem_shared>>)
      tpu.yield
    }) : () -> ()
    %mul3A_3 = arith.constant 10000 : i32
    %mul3A_4 = arith.muli %add3A, %mul3A_3 : i32
    %multiple_of3A = tpu.assume_multiple %mul3A_4, 8 : i32
    %run_scoped3A = arith.constant 0 : i32
    "tpu.region"() ({
      %run_scoped3A_11 = tpu.sem_alloc : memref<!tpu.dma_semaphore, #tpu.memory_space<semaphore_mem>>
      %dma_start3A = tpu.memref_slice %arg3[%run_scoped3A, %multiple_of3A] : memref<2x320000xi32, #tpu.memory_space<hbm>> -> memref<1x10000xi32, #tpu.memory_space<hbm>>
      %dma_start3A_12 = tpu.memref_squeeze %dma_start3A : memref<1x10000xi32, #tpu.memory_space<hbm>> -> memref<10000xi32, #tpu.memory_space<hbm>>
      %dma_start3A_13 = tpu.memref_slice %arg3[%run_scoped3A, %multiple_of3A] : memref<2x320000xi32, #tpu.memory_space<hbm>> -> memref<1x10000xi32, #tpu.memory_space<hbm>>
      %dma_start3A_14 = tpu.memref_squeeze %dma_start3A_13 : memref<1x10000xi32, #tpu.memory_space<hbm>> -> memref<10000xi32, #tpu.memory_space<hbm>>
      tpu.enqueue_dma source(%dma_start3A_14 : memref<10000xi32, #tpu.memory_space<hbm>>) target(%arg6 : memref<10000xi32, #tpu.memory_space<vmem>>) target_semaphore(%run_scoped3A_11 : memref<!tpu.dma_semaphore, #tpu.memory_space<semaphore_mem>>)
      %dma_wait3A = tpu.memref_slice %arg3[%run_scoped3A, %multiple_of3A] : memref<2x320000xi32, #tpu.memory_space<hbm>> -> memref<1x10000xi32, #tpu.memory_space<hbm>>
      %dma_wait3A_15 = tpu.memref_squeeze %dma_wait3A : memref<1x10000xi32, #tpu.memory_space<hbm>> -> memref<10000xi32, #tpu.memory_space<hbm>>
      %dma_wait3A_16 = tpu.memref_slice %arg3[%run_scoped3A, %multiple_of3A] : memref<2x320000xi32, #tpu.memory_space<hbm>> -> memref<1x10000xi32, #tpu.memory_space<hbm>>
      %dma_wait3A_17 = tpu.memref_squeeze %dma_wait3A_16 : memref<1x10000xi32, #tpu.memory_space<hbm>> -> memref<10000xi32, #tpu.memory_space<hbm>>
      tpu.wait_dma2 semaphore(%run_scoped3A_11 : memref<!tpu.dma_semaphore, #tpu.memory_space<semaphore_mem>>) src(%dma_wait3A_17 : memref<10000xi32, #tpu.memory_space<hbm>>) dst(%arg6 : memref<10000xi32, #tpu.memory_space<vmem>>)
      tpu.yield
    }) : () -> ()
    %run_scoped3A_5 = arith.constant 1 : i32
    "tpu.region"() ({
      %run_scoped3A_11 = tpu.sem_alloc : memref<!tpu.dma_semaphore, #tpu.memory_space<semaphore_mem>>
      %dma_start3A = tpu.memref_slice %arg3[%run_scoped3A_5, %multiple_of3A] : memref<2x320000xi32, #tpu.memory_space<hbm>> -> memref<1x10000xi32, #tpu.memory_space<hbm>>
      %dma_start3A_12 = tpu.memref_squeeze %dma_start3A : memref<1x10000xi32, #tpu.memory_space<hbm>> -> memref<10000xi32, #tpu.memory_space<hbm>>
      %dma_start3A_13 = tpu.memref_slice %arg3[%run_scoped3A_5, %multiple_of3A] : memref<2x320000xi32, #tpu.memory_space<hbm>> -> memref<1x10000xi32, #tpu.memory_space<hbm>>
      %dma_start3A_14 = tpu.memref_squeeze %dma_start3A_13 : memref<1x10000xi32, #tpu.memory_space<hbm>> -> memref<10000xi32, #tpu.memory_space<hbm>>
      tpu.enqueue_dma source(%dma_start3A_14 : memref<10000xi32, #tpu.memory_space<hbm>>) target(%arg7 : memref<10000xi32, #tpu.memory_space<vmem>>) target_semaphore(%run_scoped3A_11 : memref<!tpu.dma_semaphore, #tpu.memory_space<semaphore_mem>>)
      %dma_wait3A = tpu.memref_slice %arg3[%run_scoped3A_5, %multiple_of3A] : memref<2x320000xi32, #tpu.memory_space<hbm>> -> memref<1x10000xi32, #tpu.memory_space<hbm>>
      %dma_wait3A_15 = tpu.memref_squeeze %dma_wait3A : memref<1x10000xi32, #tpu.memory_space<hbm>> -> memref<10000xi32, #tpu.memory_space<hbm>>
      %dma_wait3A_16 = tpu.memref_slice %arg3[%run_scoped3A_5, %multiple_of3A] : memref<2x320000xi32, #tpu.memory_space<hbm>> -> memref<1x10000xi32, #tpu.memory_space<hbm>>
      %dma_wait3A_17 = tpu.memref_squeeze %dma_wait3A_16 : memref<1x10000xi32, #tpu.memory_space<hbm>> -> memref<10000xi32, #tpu.memory_space<hbm>>
      tpu.wait_dma2 semaphore(%run_scoped3A_11 : memref<!tpu.dma_semaphore, #tpu.memory_space<semaphore_mem>>) src(%dma_wait3A_17 : memref<10000xi32, #tpu.memory_space<hbm>>) dst(%arg7 : memref<10000xi32, #tpu.memory_space<vmem>>)
      tpu.yield
    }) : () -> ()
    %barrier3A = arith.constant 0 : index
    tpu.barrier barrier_id(%barrier3A)
    %run_scoped3A_6 = arith.constant 0 : i32
    "tpu.region"() ({
      %run_scoped3A_11 = tpu.sem_alloc : memref<!tpu.dma_semaphore, #tpu.memory_space<semaphore_mem>>
      %dma_start3A = arith.constant 0 : i32
      %dma_start3A_12 = arith.constant 0 : i32
      %dma_start3A_13 = tpu.memref_slice %arg8[%run_scoped3A_6, %dma_start3A, %dma_start3A_12] : memref<1x5000x16xf32, #tpu.memory_space<vmem>> -> memref<1x5000x16xf32, #tpu.memory_space<vmem>>
      %dma_start3A_14 = tpu.memref_squeeze %dma_start3A_13 : memref<1x5000x16xf32, #tpu.memory_space<vmem>> -> memref<5000x16xf32, #tpu.memory_space<vmem>>
      %dma_start3A_15 = arith.constant 0 : i32
      %dma_start3A_16 = tpu.memref_slice %arg6[%dma_start3A_15] : memref<10000xi32, #tpu.memory_space<vmem>> -> memref<5000xi32, #tpu.memory_space<vmem>>
      %dma_start3A_17 = arith.constant 0 : i32
      %dma_start3A_18 = arith.constant 0 : i32
      %dma_start3A_19 = tpu.memref_slice %arg10[%dma_start3A_17, %dma_start3A_18] : memref<10112x16xf32, #tpu.memory_space<vmem_shared>> -> memref<10112x16xf32, #tpu.memory_space<vmem_shared>>
      tpu.enqueue_indirect_dma source(%dma_start3A_19 : memref<10112x16xf32, #tpu.memory_space<vmem_shared>>) target(%dma_start3A_14 : memref<5000x16xf32, #tpu.memory_space<vmem>>) offsets(%dma_start3A_16 : memref<5000xi32, #tpu.memory_space<vmem>>) semaphore(%run_scoped3A_11 : memref<!tpu.dma_semaphore, #tpu.memory_space<semaphore_mem>>)
      %dma_wait3A = arith.constant 0 : i32
      %dma_wait3A_20 = arith.constant 0 : i32
      %dma_wait3A_21 = tpu.memref_slice %arg8[%run_scoped3A_6, %dma_wait3A, %dma_wait3A_20] : memref<1x5000x16xf32, #tpu.memory_space<vmem>> -> memref<1x5000x16xf32, #tpu.memory_space<vmem>>
      %dma_wait3A_22 = tpu.memref_squeeze %dma_wait3A_21 : memref<1x5000x16xf32, #tpu.memory_space<vmem>> -> memref<5000x16xf32, #tpu.memory_space<vmem>>
      %dma_wait3A_23 = arith.constant 0 : i32
      %dma_wait3A_24 = tpu.memref_slice %arg6[%dma_wait3A_23] : memref<10000xi32, #tpu.memory_space<vmem>> -> memref<5000xi32, #tpu.memory_space<vmem>>
      %dma_wait3A_25 = arith.constant 0 : i32
      %dma_wait3A_26 = arith.constant 0 : i32
      %dma_wait3A_27 = tpu.memref_slice %arg10[%dma_wait3A_25, %dma_wait3A_26] : memref<10112x16xf32, #tpu.memory_space<vmem_shared>> -> memref<10112x16xf32, #tpu.memory_space<vmem_shared>>
      tpu.wait_indirect_dma semaphore(%run_scoped3A_11 : memref<!tpu.dma_semaphore, #tpu.memory_space<semaphore_mem>>) src(%dma_wait3A_27 : memref<10112x16xf32, #tpu.memory_space<vmem_shared>>) dst(%dma_wait3A_22 : memref<5000x16xf32, #tpu.memory_space<vmem>>)
      tpu.yield
    }) : () -> ()
    %run_scoped3A_7 = arith.constant 0 : i32
    "tpu.region"() ({
      %run_scoped3A_11 = tpu.sem_alloc : memref<!tpu.dma_semaphore, #tpu.memory_space<semaphore_mem>>
      %dma_start3A = arith.constant 0 : i32
      %dma_start3A_12 = arith.constant 0 : i32
      %dma_start3A_13 = tpu.memref_slice %arg8[%run_scoped3A_7, %dma_start3A, %dma_start3A_12] : memref<1x5000x16xf32, #tpu.memory_space<vmem>> -> memref<1x5000x16xf32, #tpu.memory_space<vmem>>
      %dma_start3A_14 = tpu.memref_squeeze %dma_start3A_13 : memref<1x5000x16xf32, #tpu.memory_space<vmem>> -> memref<5000x16xf32, #tpu.memory_space<vmem>>
      %dma_start3A_15 = arith.constant 0 : i32
      %dma_start3A_16 = tpu.memref_slice %arg7[%dma_start3A_15] : memref<10000xi32, #tpu.memory_space<vmem>> -> memref<5000xi32, #tpu.memory_space<vmem>>
      %dma_start3A_17 = arith.constant 0 : i32
      %dma_start3A_18 = arith.constant 0 : i32
      %dma_start3A_19 = tpu.memref_slice %arg9[%dma_start3A_17, %dma_start3A_18] : memref<10112x16xf32, #tpu.memory_space<vmem_shared>> -> memref<10112x16xf32, #tpu.memory_space<vmem_shared>>
      tpu.enqueue_indirect_dma source(%dma_start3A_14 : memref<5000x16xf32, #tpu.memory_space<vmem>>) target(%dma_start3A_19 : memref<10112x16xf32, #tpu.memory_space<vmem_shared>>) offsets(%dma_start3A_16 : memref<5000xi32, #tpu.memory_space<vmem>>) semaphore(%run_scoped3A_11 : memref<!tpu.dma_semaphore, #tpu.memory_space<semaphore_mem>>) {add = true}
      %dma_wait3A = arith.constant 0 : i32
      %dma_wait3A_20 = arith.constant 0 : i32
      %dma_wait3A_21 = tpu.memref_slice %arg8[%run_scoped3A_7, %dma_wait3A, %dma_wait3A_20] : memref<1x5000x16xf32, #tpu.memory_space<vmem>> -> memref<1x5000x16xf32, #tpu.memory_space<vmem>>
      %dma_wait3A_22 = tpu.memref_squeeze %dma_wait3A_21 : memref<1x5000x16xf32, #tpu.memory_space<vmem>> -> memref<5000x16xf32, #tpu.memory_space<vmem>>
      %dma_wait3A_23 = arith.constant 0 : i32
      %dma_wait3A_24 = tpu.memref_slice %arg7[%dma_wait3A_23] : memref<10000xi32, #tpu.memory_space<vmem>> -> memref<5000xi32, #tpu.memory_space<vmem>>
      %dma_wait3A_25 = arith.constant 0 : i32
      %dma_wait3A_26 = arith.constant 0 : i32
      %dma_wait3A_27 = tpu.memref_slice %arg9[%dma_wait3A_25, %dma_wait3A_26] : memref<10112x16xf32, #tpu.memory_space<vmem_shared>> -> memref<10112x16xf32, #tpu.memory_space<vmem_shared>>
      tpu.wait_indirect_dma semaphore(%run_scoped3A_11 : memref<!tpu.dma_semaphore, #tpu.memory_space<semaphore_mem>>) src(%dma_wait3A_22 : memref<5000x16xf32, #tpu.memory_space<vmem>>) dst(%dma_wait3A_27 : memref<10112x16xf32, #tpu.memory_space<vmem_shared>>)
      tpu.yield
    }) : () -> ()
    %run_scoped3A_8 = arith.constant 0 : i32
    "tpu.region"() ({
      %run_scoped3A_11 = tpu.sem_alloc : memref<!tpu.dma_semaphore, #tpu.memory_space<semaphore_mem>>
      %dma_start3A = arith.constant 0 : i32
      %dma_start3A_12 = arith.constant 0 : i32
      %dma_start3A_13 = tpu.memref_slice %arg8[%run_scoped3A_8, %dma_start3A, %dma_start3A_12] : memref<1x5000x16xf32, #tpu.memory_space<vmem>> -> memref<1x5000x16xf32, #tpu.memory_space<vmem>>
      %dma_start3A_14 = tpu.memref_squeeze %dma_start3A_13 : memref<1x5000x16xf32, #tpu.memory_space<vmem>> -> memref<5000x16xf32, #tpu.memory_space<vmem>>
      %dma_start3A_15 = arith.constant 5000 : i32
      %dma_start3A_16 = tpu.memref_slice %arg6[%dma_start3A_15] : memref<10000xi32, #tpu.memory_space<vmem>> -> memref<5000xi32, #tpu.memory_space<vmem>>
      %dma_start3A_17 = arith.constant 0 : i32
      %dma_start3A_18 = arith.constant 0 : i32
      %dma_start3A_19 = tpu.memref_slice %arg10[%dma_start3A_17, %dma_start3A_18] : memref<10112x16xf32, #tpu.memory_space<vmem_shared>> -> memref<10112x16xf32, #tpu.memory_space<vmem_shared>>
      tpu.enqueue_indirect_dma source(%dma_start3A_19 : memref<10112x16xf32, #tpu.memory_space<vmem_shared>>) target(%dma_start3A_14 : memref<5000x16xf32, #tpu.memory_space<vmem>>) offsets(%dma_start3A_16 : memref<5000xi32, #tpu.memory_space<vmem>>) semaphore(%run_scoped3A_11 : memref<!tpu.dma_semaphore, #tpu.memory_space<semaphore_mem>>)
      %dma_wait3A = arith.constant 0 : i32
      %dma_wait3A_20 = arith.constant 0 : i32
      %dma_wait3A_21 = tpu.memref_slice %arg8[%run_scoped3A_8, %dma_wait3A, %dma_wait3A_20] : memref<1x5000x16xf32, #tpu.memory_space<vmem>> -> memref<1x5000x16xf32, #tpu.memory_space<vmem>>
      %dma_wait3A_22 = tpu.memref_squeeze %dma_wait3A_21 : memref<1x5000x16xf32, #tpu.memory_space<vmem>> -> memref<5000x16xf32, #tpu.memory_space<vmem>>
      %dma_wait3A_23 = arith.constant 5000 : i32
      %dma_wait3A_24 = tpu.memref_slice %arg6[%dma_wait3A_23] : memref<10000xi32, #tpu.memory_space<vmem>> -> memref<5000xi32, #tpu.memory_space<vmem>>
      %dma_wait3A_25 = arith.constant 0 : i32
      %dma_wait3A_26 = arith.constant 0 : i32
      %dma_wait3A_27 = tpu.memref_slice %arg10[%dma_wait3A_25, %dma_wait3A_26] : memref<10112x16xf32, #tpu.memory_space<vmem_shared>> -> memref<10112x16xf32, #tpu.memory_space<vmem_shared>>
      tpu.wait_indirect_dma semaphore(%run_scoped3A_11 : memref<!tpu.dma_semaphore, #tpu.memory_space<semaphore_mem>>) src(%dma_wait3A_27 : memref<10112x16xf32, #tpu.memory_space<vmem_shared>>) dst(%dma_wait3A_22 : memref<5000x16xf32, #tpu.memory_space<vmem>>)
      tpu.yield
    }) : () -> ()
    %run_scoped3A_9 = arith.constant 0 : i32
    "tpu.region"() ({
      %run_scoped3A_11 = tpu.sem_alloc : memref<!tpu.dma_semaphore, #tpu.memory_space<semaphore_mem>>
      %dma_start3A = arith.constant 0 : i32
      %dma_start3A_12 = arith.constant 0 : i32
      %dma_start3A_13 = tpu.memref_slice %arg8[%run_scoped3A_9, %dma_start3A, %dma_start3A_12] : memref<1x5000x16xf32, #tpu.memory_space<vmem>> -> memref<1x5000x16xf32, #tpu.memory_space<vmem>>
      %dma_start3A_14 = tpu.memref_squeeze %dma_start3A_13 : memref<1x5000x16xf32, #tpu.memory_space<vmem>> -> memref<5000x16xf32, #tpu.memory_space<vmem>>
      %dma_start3A_15 = arith.constant 5000 : i32
      %dma_start3A_16 = tpu.memref_slice %arg7[%dma_start3A_15] : memref<10000xi32, #tpu.memory_space<vmem>> -> memref<5000xi32, #tpu.memory_space<vmem>>
      %dma_start3A_17 = arith.constant 0 : i32
      %dma_start3A_18 = arith.constant 0 : i32
      %dma_start3A_19 = tpu.memref_slice %arg9[%dma_start3A_17, %dma_start3A_18] : memref<10112x16xf32, #tpu.memory_space<vmem_shared>> -> memref<10112x16xf32, #tpu.memory_space<vmem_shared>>
      tpu.enqueue_indirect_dma source(%dma_start3A_14 : memref<5000x16xf32, #tpu.memory_space<vmem>>) target(%dma_start3A_19 : memref<10112x16xf32, #tpu.memory_space<vmem_shared>>) offsets(%dma_start3A_16 : memref<5000xi32, #tpu.memory_space<vmem>>) semaphore(%run_scoped3A_11 : memref<!tpu.dma_semaphore, #tpu.memory_space<semaphore_mem>>) {add = true}
      %dma_wait3A = arith.constant 0 : i32
      %dma_wait3A_20 = arith.constant 0 : i32
      %dma_wait3A_21 = tpu.memref_slice %arg8[%run_scoped3A_9, %dma_wait3A, %dma_wait3A_20] : memref<1x5000x16xf32, #tpu.memory_space<vmem>> -> memref<1x5000x16xf32, #tpu.memory_space<vmem>>
      %dma_wait3A_22 = tpu.memref_squeeze %dma_wait3A_21 : memref<1x5000x16xf32, #tpu.memory_space<vmem>> -> memref<5000x16xf32, #tpu.memory_space<vmem>>
      %dma_wait3A_23 = arith.constant 5000 : i32
      %dma_wait3A_24 = tpu.memref_slice %arg7[%dma_wait3A_23] : memref<10000xi32, #tpu.memory_space<vmem>> -> memref<5000xi32, #tpu.memory_space<vmem>>
      %dma_wait3A_25 = arith.constant 0 : i32
      %dma_wait3A_26 = arith.constant 0 : i32
      %dma_wait3A_27 = tpu.memref_slice %arg9[%dma_wait3A_25, %dma_wait3A_26] : memref<10112x16xf32, #tpu.memory_space<vmem_shared>> -> memref<10112x16xf32, #tpu.memory_space<vmem_shared>>
      tpu.wait_indirect_dma semaphore(%run_scoped3A_11 : memref<!tpu.dma_semaphore, #tpu.memory_space<semaphore_mem>>) src(%dma_wait3A_22 : memref<5000x16xf32, #tpu.memory_space<vmem>>) dst(%dma_wait3A_27 : memref<10112x16xf32, #tpu.memory_space<vmem_shared>>)
      tpu.yield
    }) : () -> ()
    %barrier3A_10 = arith.constant 0 : index
    tpu.barrier barrier_id(%barrier3A_10)
    "tpu.region"() ({
      %run_scoped3A_11 = tpu.sem_alloc : memref<!tpu.dma_semaphore, #tpu.memory_space<semaphore_mem>>
      %dma_start3A = arith.constant 0 : i32
      %dma_start3A_12 = tpu.memref_slice %arg5[%arg0, %mul3A_2, %dma_start3A] : memref<2x10112x16xf32, #tpu.memory_space<hbm>> -> memref<1x632x16xf32, #tpu.memory_space<hbm>>
      %dma_start3A_13 = tpu.memref_squeeze %dma_start3A_12 : memref<1x632x16xf32, #tpu.memory_space<hbm>> -> memref<632x16xf32, #tpu.memory_space<hbm>>
      %dma_start3A_14 = arith.constant 0 : i32
      %dma_start3A_15 = tpu.memref_slice %arg9[%mul3A_2, %dma_start3A_14] : memref<10112x16xf32, #tpu.memory_space<vmem_shared>> -> memref<632x16xf32, #tpu.memory_space<vmem_shared>>
      tpu.enqueue_dma source(%dma_start3A_15 : memref<632x16xf32, #tpu.memory_space<vmem_shared>>) target(%dma_start3A_13 : memref<632x16xf32, #tpu.memory_space<hbm>>) target_semaphore(%run_scoped3A_11 : memref<!tpu.dma_semaphore, #tpu.memory_space<semaphore_mem>>)
      %dma_wait3A = arith.constant 0 : i32
      %dma_wait3A_16 = tpu.memref_slice %arg5[%arg0, %mul3A_2, %dma_wait3A] : memref<2x10112x16xf32, #tpu.memory_space<hbm>> -> memref<1x632x16xf32, #tpu.memory_space<hbm>>
      %dma_wait3A_17 = tpu.memref_squeeze %dma_wait3A_16 : memref<1x632x16xf32, #tpu.memory_space<hbm>> -> memref<632x16xf32, #tpu.memory_space<hbm>>
      %dma_wait3A_18 = arith.constant 0 : i32
      %dma_wait3A_19 = tpu.memref_slice %arg9[%mul3A_2, %dma_wait3A_18] : memref<10112x16xf32, #tpu.memory_space<vmem_shared>> -> memref<632x16xf32, #tpu.memory_space<vmem_shared>>
      tpu.wait_dma2 semaphore(%run_scoped3A_11 : memref<!tpu.dma_semaphore, #tpu.memory_space<semaphore_mem>>) src(%dma_wait3A_19 : memref<632x16xf32, #tpu.memory_space<vmem_shared>>) dst(%dma_wait3A_17 : memref<632x16xf32, #tpu.memory_space<hbm>>)
      tpu.yield
    }) : () -> ()
    return
  }
}

module attributes {stable_mosaic.version = 14 : i64} {
  func.func @body(%arg0: memref<10000x128xf32, #tpu.memory_space<vmem>>, %arg1: memref<128x32xf32, #tpu.memory_space<vmem>>, %arg2: memref<10112x16xf32, #tpu.memory_space<vmem>>, %arg3: memref<10000x16xf32, #tpu.memory_space<vmem>>) attributes {dimension_semantics = [], scalar_prefetch = 0 : i64, scratch_operands = 0 : i64, tpu.core_type = #tpu.core_type<tc>} {
    %get3A = arith.constant 0 : index
    %get3A_0 = arith.constant 0 : index
    %get3A_1 = vector.load %arg0[%get3A, %get3A_0] : memref<10000x128xf32, #tpu.memory_space<vmem>>, vector<10000x128xf32>
    %get3A_2 = arith.constant 0 : index
    %get3A_3 = arith.constant 0 : index
    %get3A_4 = vector.load %arg1[%get3A_2, %get3A_3] : memref<128x32xf32, #tpu.memory_space<vmem>>, vector<128x32xf32>
    %dot_general3A = arith.constant dense<0.000000e+00> : vector<10000x32xf32>
    %dot_general3A_5 = tpu.matmul %get3A_1, %get3A_4, %dot_general3A {dimension_numbers = #tpu.dot_dimension_numbers<[1], [0], [0], [1], [0, 0, 1, 1], [], []>, transpose_lhs_hint = false} : vector<10000x128xf32>, vector<128x32xf32>, vector<10000x32xf32> -> vector<10000x32xf32>
    %slice3A = vector.extract_strided_slice %dot_general3A_5 {offsets = [0, 0], sizes = [10000, 16], strides = [1, 1]} : vector<10000x32xf32> to vector<10000x16xf32>
    %swap3A = arith.constant 0 : index
    %swap3A_6 = arith.constant 0 : index
    %swap3A_7 = vector.load %arg2[%swap3A, %swap3A_6] : memref<10112x16xf32, #tpu.memory_space<vmem>>, vector<10000x16xf32>
    tpu.vector_store %arg2[%swap3A, %swap3A_6], %slice3A {strides = array<i32>} : memref<10112x16xf32, #tpu.memory_space<vmem>>, vector<10000x16xf32>,
    %slice3A_8 = vector.extract_strided_slice %dot_general3A_5 {offsets = [0, 16], sizes = [10000, 16], strides = [1, 1]} : vector<10000x32xf32> to vector<10000x16xf32>
    %swap3A_9 = arith.constant 0 : index
    %swap3A_10 = arith.constant 0 : index
    %swap3A_11 = vector.load %arg3[%swap3A_9, %swap3A_10] : memref<10000x16xf32, #tpu.memory_space<vmem>>, vector<10000x16xf32>
    tpu.vector_store %arg3[%swap3A_9, %swap3A_10], %slice3A_8 {strides = array<i32>} : memref<10000x16xf32, #tpu.memory_space<vmem>>, vector<10000x16xf32>,
    return
  }
}

module attributes {stable_mosaic.version = 14 : i64} {
  func.func @body(%arg0: memref<2x10112x16xf32, #tpu.memory_space<vmem>>, %arg1: memref<10000x16xf32, #tpu.memory_space<vmem>>, %arg2: memref<1x16xf32, #tpu.memory_space<vmem>>, %arg3: memref<16x16xf32, #tpu.memory_space<vmem>>, %arg4: memref<16x16xf32, #tpu.memory_space<vmem>>, %arg5: memref<10112x16xf32, #tpu.memory_space<vmem>>, %arg6: memref<10000x16xf32, #tpu.memory_space<vmem>>) attributes {dimension_semantics = [], scalar_prefetch = 0 : i64, scratch_operands = 0 : i64, tpu.core_type = #tpu.core_type<tc>} {
    %get3A = arith.constant 0 : index
    %get3A_0 = arith.constant 0 : index
    %get3A_1 = arith.constant 0 : index
    %get3A_2 = vector.load %arg0[%get3A, %get3A_0, %get3A_1] : memref<2x10112x16xf32, #tpu.memory_space<vmem>>, vector<1x10000x16xf32>
    %get3A_3 = vector.shape_cast %get3A_2 : vector<1x10000x16xf32> to vector<10000x16xf32>
    %get3A_4 = arith.constant 1 : index
    %get3A_5 = arith.constant 0 : index
    %get3A_6 = arith.constant 0 : index
    %get3A_7 = vector.load %arg0[%get3A_4, %get3A_5, %get3A_6] : memref<2x10112x16xf32, #tpu.memory_space<vmem>>, vector<1x10000x16xf32>
    %get3A_8 = vector.shape_cast %get3A_7 : vector<1x10000x16xf32> to vector<10000x16xf32>
    %add3A = arith.addf %get3A_3, %get3A_8 : vector<10000x16xf32>
    %get3A_9 = arith.constant 0 : index
    %get3A_10 = arith.constant 0 : index
    %get3A_11 = vector.load %arg1[%get3A_9, %get3A_10] : memref<10000x16xf32, #tpu.memory_space<vmem>>, vector<10000x16xf32>
    %add3A_12 = arith.addf %add3A, %get3A_11 : vector<10000x16xf32>
    %get3A_13 = arith.constant 0 : index
    %get3A_14 = arith.constant 0 : index
    %get3A_15 = vector.load %arg2[%get3A_13, %get3A_14] : memref<1x16xf32, #tpu.memory_space<vmem>>, vector<1x16xf32>
    %add3A_16 = vector.broadcast %get3A_15 : vector<1x16xf32> to vector<10000x16xf32>
    %add3A_17 = arith.addf %add3A_12, %add3A_16 : vector<10000x16xf32>
    %max3A = arith.constant 0.000000e+00 : f32
    %max3A_18 = vector.broadcast %max3A : f32 to vector<10000x16xf32>
    %max3A_19 = arith.maximumf %add3A_17, %max3A_18 : vector<10000x16xf32>
    %get3A_20 = arith.constant 0 : index
    %get3A_21 = arith.constant 0 : index
    %get3A_22 = vector.load %arg3[%get3A_20, %get3A_21] : memref<16x16xf32, #tpu.memory_space<vmem>>, vector<16x16xf32>
    %dot_general3A = arith.constant dense<0.000000e+00> : vector<10000x16xf32>
    %dot_general3A_23 = tpu.matmul %max3A_19, %get3A_22, %dot_general3A {dimension_numbers = #tpu.dot_dimension_numbers<[1], [0], [0], [1], [0, 0, 1, 1], [], []>, transpose_lhs_hint = false} : vector<10000x16xf32>, vector<16x16xf32>, vector<10000x16xf32> -> vector<10000x16xf32>
    %swap3A = arith.constant 0 : index
    %swap3A_24 = arith.constant 0 : index
    %swap3A_25 = vector.load %arg5[%swap3A, %swap3A_24] : memref<10112x16xf32, #tpu.memory_space<vmem>>, vector<10000x16xf32>
    tpu.vector_store %arg5[%swap3A, %swap3A_24], %dot_general3A_23 {strides = array<i32>} : memref<10112x16xf32, #tpu.memory_space<vmem>>, vector<10000x16xf32>,
    %get3A_26 = arith.constant 0 : index
    %get3A_27 = arith.constant 0 : index
    %get3A_28 = vector.load %arg4[%get3A_26, %get3A_27] : memref<16x16xf32, #tpu.memory_space<vmem>>, vector<16x16xf32>
    %dot_general3A_29 = arith.constant dense<0.000000e+00> : vector<10000x16xf32>
    %dot_general3A_30 = tpu.matmul %max3A_19, %get3A_28, %dot_general3A_29 {dimension_numbers = #tpu.dot_dimension_numbers<[1], [0], [0], [1], [0, 0, 1, 1], [], []>, transpose_lhs_hint = false} : vector<10000x16xf32>, vector<16x16xf32>, vector<10000x16xf32> -> vector<10000x16xf32>
    %swap3A_31 = arith.constant 0 : index
    %swap3A_32 = arith.constant 0 : index
    %swap3A_33 = vector.load %arg6[%swap3A_31, %swap3A_32] : memref<10000x16xf32, #tpu.memory_space<vmem>>, vector<10000x16xf32>
    tpu.vector_store %arg6[%swap3A_31, %swap3A_32], %dot_general3A_30 {strides = array<i32>} : memref<10000x16xf32, #tpu.memory_space<vmem>>, vector<10000x16xf32>,
    return
  }
}

module attributes {stable_mosaic.version = 14 : i64} {
  func.func @body(%arg0: memref<2x10112x16xf32, #tpu.memory_space<vmem>>, %arg1: memref<10000x16xf32, #tpu.memory_space<vmem>>, %arg2: memref<1x16xf32, #tpu.memory_space<vmem>>, %arg3: memref<10000x7xf32, #tpu.memory_space<vmem>>) attributes {dimension_semantics = [], scalar_prefetch = 0 : i64, scratch_operands = 0 : i64, tpu.core_type = #tpu.core_type<tc>} {
    %get3A = arith.constant 0 : index
    %get3A_0 = arith.constant 0 : index
    %get3A_1 = arith.constant 0 : index
    %get3A_2 = vector.load %arg0[%get3A, %get3A_0, %get3A_1] : memref<2x10112x16xf32, #tpu.memory_space<vmem>>, vector<1x10000x16xf32>
    %get3A_3 = vector.shape_cast %get3A_2 : vector<1x10000x16xf32> to vector<10000x16xf32>
    %get3A_4 = arith.constant 1 : index
    %get3A_5 = arith.constant 0 : index
    %get3A_6 = arith.constant 0 : index
    %get3A_7 = vector.load %arg0[%get3A_4, %get3A_5, %get3A_6] : memref<2x10112x16xf32, #tpu.memory_space<vmem>>, vector<1x10000x16xf32>
    %get3A_8 = vector.shape_cast %get3A_7 : vector<1x10000x16xf32> to vector<10000x16xf32>
    %add3A = arith.addf %get3A_3, %get3A_8 : vector<10000x16xf32>
    %get3A_9 = arith.constant 0 : index
    %get3A_10 = arith.constant 0 : index
    %get3A_11 = vector.load %arg1[%get3A_9, %get3A_10] : memref<10000x16xf32, #tpu.memory_space<vmem>>, vector<10000x16xf32>
    %add3A_12 = arith.addf %add3A, %get3A_11 : vector<10000x16xf32>
    %get3A_13 = arith.constant 0 : index
    %get3A_14 = arith.constant 0 : index
    %get3A_15 = vector.load %arg2[%get3A_13, %get3A_14] : memref<1x16xf32, #tpu.memory_space<vmem>>, vector<1x16xf32>
    %add3A_16 = vector.broadcast %get3A_15 : vector<1x16xf32> to vector<10000x16xf32>
    %add3A_17 = arith.addf %add3A_12, %add3A_16 : vector<10000x16xf32>
    %iota3A = tpu.iota {dimensions = array<i32: 1>} : vector<10000x16xi32>
    %lt3A = arith.constant 7 : i32
    %lt3A_18 = vector.broadcast %lt3A : i32 to vector<10000x16xi32>
    %lt3A_19 = arith.cmpi slt, %iota3A, %lt3A_18 : vector<10000x16xi32>
    %jit3A = arith.constant -1.000000e+30 : f32
    %broadcast_in_dim3A = vector.broadcast %jit3A : f32 to vector<10000x16xf32>
    %select_n3A = arith.select %lt3A_19, %add3A_17, %broadcast_in_dim3A : vector<10000x16xi1>, vector<10000x16xf32>
    %reduce_max3A = arith.constant dense<0xFF800000> : vector<10000xf32>
    %reduce_max3A_20 = vector.multi_reduction <maximumf>, %select_n3A, %reduce_max3A [1] : vector<10000x16xf32> to vector<10000xf32>
    %broadcast_in_dim3A_21 = vector.shape_cast %reduce_max3A_20 : vector<10000xf32> to vector<10000x1xf32>
    %sub3A = vector.broadcast %broadcast_in_dim3A_21 : vector<10000x1xf32> to vector<10000x16xf32>
    %sub3A_22 = arith.subf %add3A_17, %sub3A : vector<10000x16xf32>
    %exp3A = math.exp %sub3A_22 : vector<10000x16xf32>
    %jit3A_23 = arith.constant 0.000000e+00 : f32
    %broadcast_in_dim3A_24 = vector.broadcast %jit3A_23 : f32 to vector<10000x16xf32>
    %select_n3A_25 = arith.select %lt3A_19, %exp3A, %broadcast_in_dim3A_24 : vector<10000x16xi1>, vector<10000x16xf32>
    %reduce_sum3A = arith.constant dense<0.000000e+00> : vector<10000xf32>
    %reduce_sum3A_26 = vector.multi_reduction <add>, %select_n3A_25, %reduce_sum3A [1] : vector<10000x16xf32> to vector<10000xf32>
    %broadcast_in_dim3A_27 = vector.shape_cast %reduce_sum3A_26 : vector<10000xf32> to vector<10000x1xf32>
    %sub3A_28 = vector.broadcast %broadcast_in_dim3A_21 : vector<10000x1xf32> to vector<10000x16xf32>
    %sub3A_29 = arith.subf %add3A_17, %sub3A_28 : vector<10000x16xf32>
    %log3A = math.log %broadcast_in_dim3A_27 : vector<10000x1xf32>
    %sub3A_30 = vector.broadcast %log3A : vector<10000x1xf32> to vector<10000x16xf32>
    %sub3A_31 = arith.subf %sub3A_29, %sub3A_30 : vector<10000x16xf32>
    %slice3A = vector.extract_strided_slice %sub3A_31 {offsets = [0, 0], sizes = [10000, 7], strides = [1, 1]} : vector<10000x16xf32> to vector<10000x7xf32>
    %swap3A = arith.constant 0 : index
    %swap3A_32 = arith.constant 0 : index
    %swap3A_33 = vector.load %arg3[%swap3A, %swap3A_32] : memref<10000x7xf32, #tpu.memory_space<vmem>>, vector<10000x7xf32>
    tpu.vector_store %arg3[%swap3A, %swap3A_32], %slice3A {strides = array<i32>} : memref<10000x7xf32, #tpu.memory_space<vmem>>, vector<10000x7xf32>,
    return
  }
}

</mosaic_0001>

<sc_bundles>
// kernel: kernel.10.cloned.1.call-start
scs
__scs_entry_jumppad:
0x0: {  	(pc) =	sbr.rel $0x88, $3  }
0x1: {  	(tag) =	ssettag $0x0;
	lr =	simm.s32 $0x1  }
0x2: {  	[smem:$0x3F99] =	sst lr;
	_ =	strace $0xD0000000  }
0x3: {  	_ = 	snop  }
0x4: {  	_ = 	snop  }
0x5: {  	_ = 	snop  }
0x6: {  	_ = 	snop  }
0x7: {  	_ = 	snop  }
__scs_overlays_trampoline_lowered:
0x8: {  	[smem:$0x3FA8] =	sst s0  }
0x9: {  	[smem:$0x3FA9] =	sst s1  }
0xa: {  	[smem:$0x3FAA] =	sst s2  }
0xb: {  	[smem:$0x3FAB] =	sst s3  }
0xc: {  	[smem:$0x3FAC] =	sst s4  }
0xd: {  	[smem:$0x3FAD] =	sst s5  }
0xe: {  	[smem:$0x3FAE] =	sst s6  }
0xf: {  	[smem:$0x3FAF] =	sst s7  }
0x10: {  	[smem:$0x3FB0] =	sst s8  }
0x11: {  	[smem:$0x3FB1] =	sst s9;
	s0 =	simm.s32 @!p0 $0x0  }
0x12: {  	s1 =	sld [smem:$0x3F97];
	s0 =	simm.s32 @p0 $0x1  }
0x13: {  	[smem:$0x3FB2] =	sst s0;
	s0 =	simm.s32 @!p1 $0x0  }
0x14: {  	s2 =	sld [smem:$0x3F96];
	s0 =	simm.s32 @p1 $0x1  }
0x15: {  	[smem:$0x3FB3] =	sst s0;
	s0 =	simm.s32 @!p2 $0x0  }
0x16: {  	s3 =	sld [smem:$0x3FDB];
	s0 =	simm.s32 @p2 $0x1  }
0x17: {  	s4 =	simm.s32 $0x1BF5;
	[smem:$0x3FB5] =	sst s0  }
0x18: {  	s0 =	sld [smem:$0x3F98];
	_ =	swait.ge [sflag:s4], $0x0  }
0x19: {  	s7 =	sld [smem:$0x3F99]  }
0x1a: {  	s8 =	sadd.s32 $0xFFFFE003, lr  }
0x1b: {  	s9 =	sadd.s32 $0xFFFFFEF7, lr;
	s5 =	simm.s32 $0xFFFFFFFF;
	p2 =	slt.u32 s8, $0xFFFFF086  }
0x1c: {  	p1 =	slt.u32 s9, $0xF7A;
	s5 =	simm.s32 @!p2 $0x0  }
0x1d: {  	s5 =	simm.s32 @p1 $0x1;
	p0 =	seq.s32 s7, s2  }
0x1e: {  	s7 =	smul.u32 @!p0 $0xF7A, s2;
	p2 =	seq.s32 @!p0 s5, $0x0  }
0x1f: {  	s9 =	smul.u32 $0xF7A, s1;
	s8 =	simm.s32 @!p0 $0x1BF5;
	p2 =	por !p2, p0  }
0x20: {  	[sflag:s8] =	ssyncset.s32 @!p0 $0xFFFFF086;
	s6 =	sadd.s32 @!p0 s3, s7;
	s7 =	simm.s32 @!p0 $0x108  }
0x21: {  	s3 =	sadd.s32 s3, s9;
	s6 =	sadd.s32 @!p0 $0x88, s6;
	s7 =	simm.s32 @p2 $0x1082  }
0x22: {  	[simem:s7], [sflag:s8] =	dma.local @!p0 [hbm:s6], $0xF7A  }
0x23: {  	s9 =	sor.u32 $0xD0000000, s2;
	s6 =	simm.s32 $0x108;
	_ =	swait.ge @!p0 [sflag:s8], $0x0  }
0x24: {  	s3 =	sadd.s32 $0x88, s3;
	s6 =	simm.s32 @!p1 $0x1082;
	[sflag:s4] =	ssyncset.s32 $0xFFFFF086  }
0x25: {  	[simem:s6], [sflag:s4] =	dma.local [hbm:s3], $0xF7A  }
0x26: {  	[smem:$0x3F99] =	sst s1;
	(tag) =	ssettag s2;
	_ =	strace s9  }
0x27: {  	s1 =	sld [smem:$0x3FA9]  }
0x28: {  	s2 =	sld [smem:$0x3FAA]  }
0x29: {  	s4 =	sld [smem:$0x3FAC]  }
0x2a: {  	p0 =	seq.s32 s5, $0x0;
	s5 =	sld [smem:$0x3FAD]  }
0x2b: {  	s6 =	sld [smem:$0x3FAE]  }
0x2c: {  	s7 =	sld [smem:$0x3FAF]  }
0x2d: {  	s3 =	simm.s32 $0x108;
	s8 =	sld [smem:$0x3FB0]  }
0x2e: {  	s3 =	simm.s32 @!p0 $0x1082;
	s9 =	sld [smem:$0x3FB1]  }
0x2f: {  	lr =	sadd.s32 s0, s3;
	s0 =	sld [smem:$0x3FA8]  }
0x30: {  	s3 =	sld [smem:$0x3FAB]  }
0x31: {  	[smem:$0x3FB4] =	sst s10  }
0x32: {  	s10 =	sld [smem:$0x3FB2];
	_ =	sdelay $0x3  }
0x33: {  	p0 =	seq.s32 s10, $0x1;
	s10 =	sld [smem:$0x3FB4];
	_ =	sdelay $0x3  }
0x34: {  	[smem:$0x3FB4] =	sst s10  }
0x35: {  	s10 =	sld [smem:$0x3FB3];
	_ =	sdelay $0x3  }
0x36: {  	p1 =	seq.s32 s10, $0x1;
	s10 =	sld [smem:$0x3FB4];
	_ =	sdelay $0x3  }
0x37: {  	[smem:$0x3FB4] =	sst s10  }
0x38: {  	s10 =	sld [smem:$0x3FB5]  }
0x39: {  	_ = 	snop;
	(pc) =	sbr.ind lr, $3  }
0x3a: {  	_ = 	snop  }
0x3b: {  	_ = 	snop  }
0x3c: {  	p2 =	seq.s32 s10, $0x1;
	s10 =	sld [smem:$0x3FB4]  }
0x3d: {  	_ =	shalt  }
0x3e: {  	_ =	shalt  }
0x3f: {  	_ =	shalt  }
0x40: {  	_ =	shalt  }
0x41: {  	_ =	shalt  }
0x42: {  	_ =	shalt  }
0x43: {  	_ =	shalt  }
0x44: {  	_ =	shalt  }
0x45: {  	_ =	shalt  }
0x46: {  	_ =	shalt  }
0x47: {  	_ =	shalt  }
0x48: {  	_ =	shalt  }
0x49: {  	_ =	shalt  }
0x4a: {  	_ =	shalt  }
0x4b: {  	_ =	shalt  }
0x4c: {  	_ =	shalt  }
0x4d: {  	_ =	shalt  }
0x4e: {  	_ =	shalt  }
0x4f: {  	_ =	shalt  }
0x50: {  	_ =	shalt  }
0x51: {  	_ =	shalt  }
0x52: {  	_ =	shalt  }
0x53: {  	_ =	shalt  }
0x54: {  	_ =	shalt  }
0x55: {  	_ =	shalt  }
0x56: {  	_ =	shalt  }
0x57: {  	_ =	shalt  }
0x58: {  	_ =	shalt  }
0x59: {  	_ =	shalt  }
0x5a: {  	_ =	shalt  }
0x5b: {  	_ =	shalt  }
0x5c: {  	_ =	shalt  }
0x5d: {  	_ =	shalt  }
0x5e: {  	_ =	shalt  }
0x5f: {  	_ =	shalt  }
0x60: {  	_ =	shalt  }
0x61: {  	_ =	shalt  }
0x62: {  	_ =	shalt  }
0x63: {  	_ =	shalt  }
0x64: {  	_ =	shalt  }
0x65: {  	_ =	shalt  }
0x66: {  	_ =	shalt  }
0x67: {  	_ =	shalt  }
0x68: {  	_ =	shalt  }
0x69: {  	_ =	shalt  }
0x6a: {  	_ =	shalt  }
0x6b: {  	_ =	shalt  }
0x6c: {  	_ =	shalt  }
0x6d: {  	_ =	shalt  }
0x6e: {  	_ =	shalt  }
0x6f: {  	_ =	shalt  }
0x70: {  	_ =	shalt  }
0x71: {  	_ =	shalt  }
0x72: {  	_ =	shalt  }
0x73: {  	_ =	shalt  }
0x74: {  	_ =	shalt  }
0x75: {  	_ =	shalt  }
0x76: {  	_ =	shalt  }
0x77: {  	_ =	shalt  }
0x78: {  	_ =	shalt  }
0x79: {  	_ =	shalt  }
0x7a: {  	_ =	shalt  }
0x7b: {  	_ =	shalt  }
0x7c: {  	_ =	shalt  }
0x7d: {  	_ =	shalt  }
0x7e: {  	_ =	shalt  }
0x7f: {  	_ =	shalt  }
0x80: {  	_ =	shalt  }
0x81: {  	_ =	shalt  }
0x82: {  	_ =	shalt  }
0x83: {  	_ =	shalt  }
0x84: {  	_ =	shalt  }
0x85: {  	_ =	shalt  }
0x86: {  	_ =	shalt  }
0x87: {  	_ =	shalt  }
.Lfunc_end0:
.L_simem_size_0:
called_computation.1_lowered:
.L_overlay_start_0:
0x88: {  	s2 =	sld [smem:$0x3FD9]  }
0x89: {  	s3 =	sld [smem:$0x3FFE];
	_ =	sdelay $0x1  }
0x8a: {  	s1 =	srdreg.scid  }
0x8b: {  	s0 =	sand.u32 $0x1, s1  }
0x8c: {  	s16 =	sshll.u32 s0, $0xA;
	s2 =	sadd.s32 s3, s2  }
0x8d: {  	s2 =	sadd.s32 s2, s16  }
0x8e: {  	[smem:$0x3FC0] =	sst s2  }
0x8f: {  	_ = 	snop  }
0x90: {  	(tm) =	ssettm $0x1  }
0x91: {  	s17 =	sld [smem:$0x3FFB];
	_ =	sdelay $0x3  }
0x92: {  	_ =	strace s17  }
0x93: {  	s2 =	sld [smem:$0x3FFC];
	_ =	sdelay $0x3  }
0x94: {  	_ =	strace s2  }
0x95: {  	s2 =	sld [smem:$0x3FFD];
	_ =	sdelay $0x3  }
0x96: {  	_ =	strace s2  }
0x97: {  	_ =	strace $0x8FFFFFFF  }
0x98: {  	s18 =	sld [smem:$0x3FDB];
	_ =	sdelay $0x1  }
0x99: {  	s19 =	simm.s32 $_scs_section_size  }
0x9a: {  	s4 =	simm.s32 $_size__tile_overlayer_lowered;
	s5 =	simm.s32 $_tile_overlayer_lowered  }
0x9b: {  	s22 =	simm.s32 $0x1BFF;
	s21 =	sshll.u32 s5, $0x1;
	s2 =	sadd.s32 s19, s18  }
0x9c: {  	s6 =	simm.s32 $0x0;
	s20 =	sshll.u32 s4, $0x1;
	s4 =	sadd.s32 s21, s2  }
0x9d: {  	[timem:s6], [sflag:s22] =	dma.local [hbm:s4], s20  }
0x9e: {  	_ =	swait.ge [sflag:s22], s20  }
0x9f: {  	s3 =	ssub.s32 $0x0, s20;
	[sflag:s22] =	ssyncset.done $0x0  }
0xa0: {  	[sflag:s22] =	ssyncadd.s32 s3;
	_ =	sdelay $0x1  }
0xa1: {  	s23 =	simm.s32 $0x1B8B  }
0xa2: {  	_ =	swait.ge [sflag:s23], $0x1  }
0xa3: {  	[sflag:s23] =	ssyncset.done $0x0  }
0xa4: {  	s25 =	simm.s32 $0x1B8E;
	s24 =	sld [smem:$0x3FFE];
	[sflag:s23] =	ssyncadd.s32 $0xFFFFFFFF  }
0xa5: {  	s26 =	simm.s32 $execute0_lowered;
	[smem:$0x3FD2] =	sst s25  }
0xa6: {  	s4 =	sshll.u32 s26, $0x1;
	_ =	strace $0x80000049;
	[dreg:$0x1] =	wrdreg $0xFFFFFFFF  }
0xa7: {  	s28 =	simm.s32 $_size_execute0_lowered;
	s2 =	sadd.s32 s2, s4;
	[dreg:$0x0] =	wrdreg $0x0  }
0xa8: {  	s4 =	sshll.u32 s28, $0x1;
	[dreg:$0x2] =	wrdreg s2  }
0xa9: {  	[dreg:$0x3] =	wrdreg s4  }
0xaa: {  	[dreg:$0x4] =	wrdreg $0xC0  }
0xab: {  	_ =	task [dreg:s6], $0x5FFFF  }
0xac: {  	[dreg:$0x1] =	wrdreg $0xFFFFFFFF  }
0xad: {  	[dreg:$0x0] =	wrdreg $0x60  }
0xae: {  	[dreg:$0x2] =	wrdreg s24  }
0xaf: {  	[dreg:$0x3] =	wrdreg $0x186A00  }
0xb0: {  	[dreg:$0x4] =	wrdreg $0x1AE200  }
0xb1: {  	[dreg:$0x5] =	wrdreg $0x9  }
0xb2: {  	_ =	task.clear_ibuf [dreg:s6], $0x6FFFF;
	_ =	strace $0x90000049  }
0xb3: {  	s29 =	simm.s32 $0x9;
	_ =	strace $0x8000004B  }
0xb4: {  	_ =	swait.ge [sflag:s29], $0x1  }
0xb5: {  	[sflag:s29] =	ssyncadd.s32 $0xFFFFFFFF  }
0xb6: {  	_ =	strace $0x9000004B  }
0xb7: {  	_ =	sfence  }
0xb8: {  	s30 =	sld [smem:$0x0];
	_ =	sdelay $0x2  }
0xb9: {  	s31 =	sshll.u32 s1, $0xD;
	s1 =	sshrl.u32 s1, $0x2  }
0xba: {  	s3 =	sand.u32 $0x4000, s31;
	s1 =	sadd.s32 s1, s30  }
0xbb: {  	s0 =	sor.u32 s3, s0;
	s1 =	sshll.u32 s1, $0x11  }
0xbc: {  	s0 =	sor.u32 s1, s0  }
0xbd: {  	s0 =	sadd.s32 $0x8F2B, s0  }
0xbe: {  	[sflag:s0] =	ssyncadd.remote.s32 $0x1  }
0xbf: {  	_ =	sfence.sel $0xFFFF  }
0xc0: {  	[dreg:$0x0] =	wrdreg $0xFFFFFFFF;
	(pc) =	sbr.abs _section_cstart, $3  }
0xc1: {  	[dreg:$0x1] =	wrdreg $0xFFFFFFFF  }
0xc2: {  	_ =	task.clear_ibuf [dreg:s6], $0x2FFFF;
	_ =	strace $0x9FFFFFFF  }
0xc3: {  	(tm) =	ssettm $0x7FFFFFFF  }
tec
execute0_lowered:
.L_overlay_start_1:
0x0: {  	(tag) =	ssettag $0x1  }
0x1: {  	s17 =	rddreg [dreg:$0x0]  }
0x2: {  	s2 =	rddreg [dreg:$0x1]  }
0x3: {  	s3 =	rddreg [dreg:$0x2]  }
0x4: {  	s0 =	stileid.u32;
	s1 =	rddreg [dreg:$0x3]  }
0x5: {  	s4 =	simm.s32 $0x0;
	s5 =	srdreg.scid;
	s18 =	smul.u32 $0x2780, s0  }
0x6: {  	[smem:$0x7FF] =	sst s4;
	s19 =	sand.u32 $0x1, s5;
	s28 =	sshll.u32 s0, $0x6  }
0x7: {  	_ =	strace $0x8000004A;
	s10 =	sshll.u32 s19, $0x4;
	s6 =	sshrl.u32 s18, $0x3  }
0x8: {  	s7 =	sadd.s32 s18, s2;
	s9 =	sadd.s32 s6, s17;
	s6 =	sor.u32 $0x1C01, s28  }
0x9: {  	s8 =	sshrl.u32 s7, $0x3;
	s7 =	simm.s32 $0x1;
	s5 =	sadd.s32 $0x19E00, s9  }
0xa: {  	[spmem:s8], [sflag:s6] =	dma.local [hbm:s5], $0x4F0  }
0xb: {  	s10 =	sor.u32 s0, s10;
	_ =	swait.ge [sflag:s7], $0x4F0  }
0xc: {  	s29 =	sadd.s32 s18, s3;
	s11 =	smul.u32 $0x2710, s10;
	[sflag:s7] =	ssyncset.done $0x0  }
0xd: {  	s10 =	sshrl.u32 s29, $0x3;
	s9 =	sadd.s32 $0x14E00, s9;
	[sflag:s7] =	ssyncadd.s32 $0xFFFFFB10  }
0xe: {  	[spmem:s10], [sflag:s6] =	dma.local [hbm:s9], $0x4F0  }
0xf: {  	s11 =	sshrl.u32 s11, $0x3;
	_ =	swait.ge [sflag:s7], $0x4F0  }
0x10: {  	s12 =	sadd.s32 s11, s17;
	[sflag:s7] =	ssyncset.done $0x0  }
0x11: {  	s11 =	sadd.s32 $0x1400, s12;
	[sflag:s7] =	ssyncadd.s32 $0xFFFFFB10  }
0x12: {  	[tilespmem:s4], [sflag:$0x1] =	stream.linear.gather [hbm4b:s11+s4], $0x2710, $0x38;
	[tilespmem:$0x1D5A0] =	vst v63  }
0x13: {  	_ =	swait.ge [sflag:s7], $0x2710  }
0x14: {  	[sflag:s7] =	ssyncset.done $0x0  }
0x15: {  	s13 =	simm.s32 $0x2710;
	s12 =	sadd.s32 $0xB040, s12;
	[sflag:s7] =	ssyncadd.s32 $0xFFFFD8F0  }
0x16: {  	[tilespmem:s13], [sflag:$0x1] =	stream.linear.gather [hbm4b:s12+s4], $0x2710, $0x38;
	[tilespmem:$0x1D5A0] =	vst v63  }
0x17: {  	_ =	swait.ge [sflag:s7], $0x2710  }
0x18: {  	[sflag:s7] =	ssyncset.done $0x0  }
0x19: {  	[sflag:s7] =	ssyncadd.s32 $0xFFFFD8F0  }
0x1a: {  	s14 =	simm.s32 $0x1388;
	s15 =	simm.s32 $0x4E20;
	[bflag:$0x0] =	sbarrier.arrive $0xFFFF  }
0x1b: {  	[tilespmem:s15], [sflag:$0x1] =	stream.indirect.gather [spmem:s3], $0x10, s4, s14, $0xb8;
	[tilespmem:$0x1D5A0] =	vst v63  }
0x1c: {  	_ =	swait.ge [sflag:s7], $0x13880  }
0x1d: {  	[sflag:s7] =	ssyncset.done $0x0  }
0x1e: {  	[sflag:s7] =	ssyncadd.s32 $0xFFFEC780  }
0x1f: {  	[spmem:s2] =	stream.indirect.scatter.add.f32 [tilespmem:s15], [sflag:$0x1], $0x10, s13, s14, $0xb8;
	[tilespmem:$0x1D5A0] =	vst v63  }
0x20: {  	_ =	swait.ge [sflag:s7], $0x13880  }
0x21: {  	[sflag:s7] =	ssyncset.done $0x0  }
0x22: {  	s20 =	smul.u32 $0x27800, s19;
	[sflag:s7] =	ssyncadd.s32 $0xFFFEC780  }
0x23: {  	[tilespmem:s15], [sflag:$0x1] =	stream.indirect.gather [spmem:s3], $0x10, s14, s14, $0xb8;
	[tilespmem:$0x1D5A0] =	vst v63  }
0x24: {  	s16 =	simm.s32 $0x3A98;
	s19 =	ssub.s32 $0x2, s19;
	_ =	swait.ge [sflag:s7], $0x13880  }
0x25: {  	s30 =	sshrl.u32 s19, $0x1;
	s18 =	sadd.s32 s18, s20;
	[sflag:s7] =	ssyncset.done $0x0  }
0x26: {  	s31 =	ssub.s32 s19, s30;
	s18 =	sshrl.u32 s18, $0x3;
	[sflag:s7] =	ssyncadd.s32 $0xFFFEC780  }
0x27: {  	[spmem:s2] =	stream.indirect.scatter.add.f32 [tilespmem:s15], [sflag:$0x1], $0x10, s16, s14, $0xb8;
	[tilespmem:$0x1D5A0] =	vst v63  }
0x28: {  	s17 =	sadd.s32 s18, s17;
	s18 =	smax.u32 s31, $0x1;
	_ =	swait.ge [sflag:s7], $0x13880  }
0x29: {  	p0 =	sne.s32 s18, $0x1;
	[sflag:s7] =	ssyncset.done $0x0  }
.Ltmp0:
0x2a: {  	[sflag:s7] =	ssyncadd.s32 $0xFFFEC780;
	(pc) =	sbr.rel @!p0 .LBB2_2-.Ltmp0, $4  }
0x2b: {  	s17 =	sadd.s32 $0x1EE00, s17;
	[bflag:$0x0] =	sbarrier.arrive $0xFFFF  }
0x2c: {  	[hbm:s17], [sflag:s6] =	dma.local [spmem:s8], $0x4F0  }
0x2d: {  	_ =	swait.ge [sflag:s7], $0x4F0  }
0x2e: {  	s18 =	sadd.s32 $0xFFFFFFFF, s18;
	[sflag:s7] =	ssyncset.done $0x0  }
.LBB2_1:
0x2f: {  	p0 =	sne.s32 s18, $0x1;
	s18 =	sadd.s32 $0xFFFFFFFF, s18;
	[sflag:s7] =	ssyncadd.s32 $0xFFFFFB10  }
0x30: {  	[spmem:s8], [sflag:s6] =	dma.local [hbm:s5], $0x4F0  }
0x31: {  	_ =	swait.ge [sflag:s7], $0x4F0  }
0x32: {  	[sflag:s7] =	ssyncset.done $0x0  }
0x33: {  	[sflag:s7] =	ssyncadd.s32 $0xFFFFFB10  }
0x34: {  	[spmem:s10], [sflag:s6] =	dma.local [hbm:s9], $0x4F0  }
0x35: {  	_ =	swait.ge [sflag:s7], $0x4F0  }
0x36: {  	[sflag:s7] =	ssyncset.done $0x0  }
0x37: {  	[sflag:s7] =	ssyncadd.s32 $0xFFFFFB10  }
0x38: {  	[tilespmem:s4], [sflag:$0x1] =	stream.linear.gather [hbm4b:s11+s4], $0x2710, $0x38;
	[tilespmem:$0x1D5A0] =	vst v63  }
0x39: {  	_ =	swait.ge [sflag:s7], $0x2710  }
0x3a: {  	[sflag:s7] =	ssyncset.done $0x0  }
0x3b: {  	[sflag:s7] =	ssyncadd.s32 $0xFFFFD8F0  }
0x3c: {  	[tilespmem:s13], [sflag:$0x1] =	stream.linear.gather [hbm4b:s12+s4], $0x2710, $0x38;
	[tilespmem:$0x1D5A0] =	vst v63  }
0x3d: {  	_ =	swait.ge [sflag:s7], $0x2710  }
0x3e: {  	[sflag:s7] =	ssyncset.done $0x0  }
0x3f: {  	[sflag:s7] =	ssyncadd.s32 $0xFFFFD8F0  }
0x40: {  	[bflag:$0x0] =	sbarrier.arrive $0xFFFF  }
0x41: {  	[tilespmem:s15], [sflag:$0x1] =	stream.indirect.gather [spmem:s3], $0x10, s4, s14, $0xb8;
	[tilespmem:$0x1D5A0] =	vst v63  }
0x42: {  	_ =	swait.ge [sflag:s7], $0x13880  }
0x43: {  	[sflag:s7] =	ssyncset.done $0x0  }
0x44: {  	[sflag:s7] =	ssyncadd.s32 $0xFFFEC780  }
0x45: {  	[spmem:s2] =	stream.indirect.scatter.add.f32 [tilespmem:s15], [sflag:$0x1], $0x10, s13, s14, $0xb8;
	[tilespmem:$0x1D5A0] =	vst v63  }
0x46: {  	_ =	swait.ge [sflag:s7], $0x13880  }
0x47: {  	[sflag:s7] =	ssyncset.done $0x0  }
0x48: {  	[sflag:s7] =	ssyncadd.s32 $0xFFFEC780  }
0x49: {  	[tilespmem:s15], [sflag:$0x1] =	stream.indirect.gather [spmem:s3], $0x10, s14, s14, $0xb8;
	[tilespmem:$0x1D5A0] =	vst v63  }
0x4a: {  	_ =	swait.ge [sflag:s7], $0x13880  }
0x4b: {  	[sflag:s7] =	ssyncset.done $0x0  }
0x4c: {  	[sflag:s7] =	ssyncadd.s32 $0xFFFEC780  }
0x4d: {  	[spmem:s2] =	stream.indirect.scatter.add.f32 [tilespmem:s15], [sflag:$0x1], $0x10, s16, s14, $0xb8;
	[tilespmem:$0x1D5A0] =	vst v63  }
0x4e: {  	_ =	swait.ge [sflag:s7], $0x13880  }
0x4f: {  	[sflag:s7] =	ssyncset.done $0x0  }
.Ltmp1:
0x50: {  	[sflag:s7] =	ssyncadd.s32 $0xFFFEC780;
	(pc) =	sbr.rel @p0 .LBB2_1-.Ltmp1, $4  }
0x51: {  	[bflag:$0x0] =	sbarrier.arrive $0xFFFF  }
0x52: {  	[hbm:s17], [sflag:s6] =	dma.local [spmem:s8], $0x4F0  }
0x53: {  	_ =	swait.ge [sflag:s7], $0x4F0  }
0x54: {  	[sflag:s7] =	ssyncset.done $0x0  }
.LBB2_2:
0x55: {  	[sflag:s7] =	ssyncadd.s32 $0xFFFFFB10  }
0x56: {  	_ =	sfence.sel $0x180000  }
0x57: {  	[bflag:$0x0] =	sbarrier.arrive $0xFFFF  }
0x58: {  	p0 =	sne.s32 s0, $0x0;
	_ =	strace $0x9000004A  }
0x59: {  	s0 =	sadd.s32 @!p0 $0x100000, s1;
	[bflag:$0x2] =	sbarrier.arrive $0xFFFF  }
0x5a: {  	[sflag:s0] =	ssyncadd.tile.s32 @!p0 $0x1;
	_ =	shalt  }
.Lfunc_end2:
_tile_overlayer_lowered:
.L_overlay_start_2:
0x5b: {  	(tag) =	ssettag $0x2  }
0x5c: {  	s0 =	rddreg [dreg:$0x0];
	s2 =	stileid.u32  }
0x5d: {  	s1 =	rddreg [dreg:$0x1];
	p0 =	sne.s32 s2, $0x0  }
0x5e: {  	s3 =	rddreg [dreg:$0x2];
	[bflag:$0x3] =	sbarrier.arrive $0xFFFF;
	s2 =	simm.s32 @!p0 $0x1C01  }
0x5f: {  	[timem:s3], [sflag:s2] =	dma.local @!p0 [hbm:s0], s1  }
0x60: {  	s0 =	simm.s32 @!p0 $0x1  }
0x61: {  	_ =	swait.ge @!p0 [sflag:s0], s1  }
0x62: {  	s1 =	ssub.s32 @!p0 $0x0, s1;
	[sflag:s0] =	ssyncset.done @!p0 $0x0  }
0x63: {  	[sflag:s0] =	ssyncadd.s32 @!p0 s1  }
0x64: {  	[bflag:$0x3] =	sbarrier.arrive $0xFFFF  }
0x65: {  	_ =	shalt  }

// kernel: kernel.7.cloned.1.call-start
scs
__scs_entry_jumppad:
0x0: {  	(pc) =	sbr.rel $0x88, $3  }
0x1: {  	(tag) =	ssettag $0x0;
	lr =	simm.s32 $0x1  }
0x2: {  	[smem:$0x3F99] =	sst lr;
	_ =	strace $0xD0000000  }
0x3: {  	_ = 	snop  }
0x4: {  	_ = 	snop  }
0x5: {  	_ = 	snop  }
0x6: {  	_ = 	snop  }
0x7: {  	_ = 	snop  }
__scs_overlays_trampoline_lowered:
0x8: {  	[smem:$0x3FA8] =	sst s0  }
0x9: {  	[smem:$0x3FA9] =	sst s1  }
0xa: {  	[smem:$0x3FAA] =	sst s2  }
0xb: {  	[smem:$0x3FAB] =	sst s3  }
0xc: {  	[smem:$0x3FAC] =	sst s4  }
0xd: {  	[smem:$0x3FAD] =	sst s5  }
0xe: {  	[smem:$0x3FAE] =	sst s6  }
0xf: {  	[smem:$0x3FAF] =	sst s7  }
0x10: {  	[smem:$0x3FB0] =	sst s8  }
0x11: {  	[smem:$0x3FB1] =	sst s9;
	s0 =	simm.s32 @!p0 $0x0  }
0x12: {  	s1 =	sld [smem:$0x3F97];
	s0 =	simm.s32 @p0 $0x1  }
0x13: {  	[smem:$0x3FB2] =	sst s0;
	s0 =	simm.s32 @!p1 $0x0  }
0x14: {  	s2 =	sld [smem:$0x3F96];
	s0 =	simm.s32 @p1 $0x1  }
0x15: {  	[smem:$0x3FB3] =	sst s0;
	s0 =	simm.s32 @!p2 $0x0  }
0x16: {  	s3 =	sld [smem:$0x3FDB];
	s0 =	simm.s32 @p2 $0x1  }
0x17: {  	s4 =	simm.s32 $0x1BF5;
	[smem:$0x3FB5] =	sst s0  }
0x18: {  	s0 =	sld [smem:$0x3F98];
	_ =	swait.ge [sflag:s4], $0x0  }
0x19: {  	s7 =	sld [smem:$0x3F99]  }
0x1a: {  	s8 =	sadd.s32 $0xFFFFE003, lr  }
0x1b: {  	s9 =	sadd.s32 $0xFFFFFEF7, lr;
	s5 =	simm.s32 $0xFFFFFFFF;
	p2 =	slt.u32 s8, $0xFFFFF086  }
0x1c: {  	p1 =	slt.u32 s9, $0xF7A;
	s5 =	simm.s32 @!p2 $0x0  }
0x1d: {  	s5 =	simm.s32 @p1 $0x1;
	p0 =	seq.s32 s7, s2  }
0x1e: {  	s7 =	smul.u32 @!p0 $0xF7A, s2;
	p2 =	seq.s32 @!p0 s5, $0x0  }
0x1f: {  	s9 =	smul.u32 $0xF7A, s1;
	s8 =	simm.s32 @!p0 $0x1BF5;
	p2 =	por !p2, p0  }
0x20: {  	[sflag:s8] =	ssyncset.s32 @!p0 $0xFFFFF086;
	s6 =	sadd.s32 @!p0 s3, s7;
	s7 =	simm.s32 @!p0 $0x108  }
0x21: {  	s3 =	sadd.s32 s3, s9;
	s6 =	sadd.s32 @!p0 $0x88, s6;
	s7 =	simm.s32 @p2 $0x1082  }
0x22: {  	[simem:s7], [sflag:s8] =	dma.local @!p0 [hbm:s6], $0xF7A  }
0x23: {  	s9 =	sor.u32 $0xD0000000, s2;
	s6 =	simm.s32 $0x108;
	_ =	swait.ge @!p0 [sflag:s8], $0x0  }
0x24: {  	s3 =	sadd.s32 $0x88, s3;
	s6 =	simm.s32 @!p1 $0x1082;
	[sflag:s4] =	ssyncset.s32 $0xFFFFF086  }
0x25: {  	[simem:s6], [sflag:s4] =	dma.local [hbm:s3], $0xF7A  }
0x26: {  	[smem:$0x3F99] =	sst s1;
	(tag) =	ssettag s2;
	_ =	strace s9  }
0x27: {  	s1 =	sld [smem:$0x3FA9]  }
0x28: {  	s2 =	sld [smem:$0x3FAA]  }
0x29: {  	s4 =	sld [smem:$0x3FAC]  }
0x2a: {  	p0 =	seq.s32 s5, $0x0;
	s5 =	sld [smem:$0x3FAD]  }
0x2b: {  	s6 =	sld [smem:$0x3FAE]  }
0x2c: {  	s7 =	sld [smem:$0x3FAF]  }
0x2d: {  	s3 =	simm.s32 $0x108;
	s8 =	sld [smem:$0x3FB0]  }
0x2e: {  	s3 =	simm.s32 @!p0 $0x1082;
	s9 =	sld [smem:$0x3FB1]  }
0x2f: {  	lr =	sadd.s32 s0, s3;
	s0 =	sld [smem:$0x3FA8]  }
0x30: {  	s3 =	sld [smem:$0x3FAB]  }
0x31: {  	[smem:$0x3FB4] =	sst s10  }
0x32: {  	s10 =	sld [smem:$0x3FB2];
	_ =	sdelay $0x3  }
0x33: {  	p0 =	seq.s32 s10, $0x1;
	s10 =	sld [smem:$0x3FB4];
	_ =	sdelay $0x3  }
0x34: {  	[smem:$0x3FB4] =	sst s10  }
0x35: {  	s10 =	sld [smem:$0x3FB3];
	_ =	sdelay $0x3  }
0x36: {  	p1 =	seq.s32 s10, $0x1;
	s10 =	sld [smem:$0x3FB4];
	_ =	sdelay $0x3  }
0x37: {  	[smem:$0x3FB4] =	sst s10  }
0x38: {  	s10 =	sld [smem:$0x3FB5]  }
0x39: {  	_ = 	snop;
	(pc) =	sbr.ind lr, $3  }
0x3a: {  	_ = 	snop  }
0x3b: {  	_ = 	snop  }
0x3c: {  	p2 =	seq.s32 s10, $0x1;
	s10 =	sld [smem:$0x3FB4]  }
0x3d: {  	_ =	shalt  }
0x3e: {  	_ =	shalt  }
0x3f: {  	_ =	shalt  }
0x40: {  	_ =	shalt  }
0x41: {  	_ =	shalt  }
0x42: {  	_ =	shalt  }
0x43: {  	_ =	shalt  }
0x44: {  	_ =	shalt  }
0x45: {  	_ =	shalt  }
0x46: {  	_ =	shalt  }
0x47: {  	_ =	shalt  }
0x48: {  	_ =	shalt  }
0x49: {  	_ =	shalt  }
0x4a: {  	_ =	shalt  }
0x4b: {  	_ =	shalt  }
0x4c: {  	_ =	shalt  }
0x4d: {  	_ =	shalt  }
0x4e: {  	_ =	shalt  }
0x4f: {  	_ =	shalt  }
0x50: {  	_ =	shalt  }
0x51: {  	_ =	shalt  }
0x52: {  	_ =	shalt  }
0x53: {  	_ =	shalt  }
0x54: {  	_ =	shalt  }
0x55: {  	_ =	shalt  }
0x56: {  	_ =	shalt  }
0x57: {  	_ =	shalt  }
0x58: {  	_ =	shalt  }
0x59: {  	_ =	shalt  }
0x5a: {  	_ =	shalt  }
0x5b: {  	_ =	shalt  }
0x5c: {  	_ =	shalt  }
0x5d: {  	_ =	shalt  }
0x5e: {  	_ =	shalt  }
0x5f: {  	_ =	shalt  }
0x60: {  	_ =	shalt  }
0x61: {  	_ =	shalt  }
0x62: {  	_ =	shalt  }
0x63: {  	_ =	shalt  }
0x64: {  	_ =	shalt  }
0x65: {  	_ =	shalt  }
0x66: {  	_ =	shalt  }
0x67: {  	_ =	shalt  }
0x68: {  	_ =	shalt  }
0x69: {  	_ =	shalt  }
0x6a: {  	_ =	shalt  }
0x6b: {  	_ =	shalt  }
0x6c: {  	_ =	shalt  }
0x6d: {  	_ =	shalt  }
0x6e: {  	_ =	shalt  }
0x6f: {  	_ =	shalt  }
0x70: {  	_ =	shalt  }
0x71: {  	_ =	shalt  }
0x72: {  	_ =	shalt  }
0x73: {  	_ =	shalt  }
0x74: {  	_ =	shalt  }
0x75: {  	_ =	shalt  }
0x76: {  	_ =	shalt  }
0x77: {  	_ =	shalt  }
0x78: {  	_ =	shalt  }
0x79: {  	_ =	shalt  }
0x7a: {  	_ =	shalt  }
0x7b: {  	_ =	shalt  }
0x7c: {  	_ =	shalt  }
0x7d: {  	_ =	shalt  }
0x7e: {  	_ =	shalt  }
0x7f: {  	_ =	shalt  }
0x80: {  	_ =	shalt  }
0x81: {  	_ =	shalt  }
0x82: {  	_ =	shalt  }
0x83: {  	_ =	shalt  }
0x84: {  	_ =	shalt  }
0x85: {  	_ =	shalt  }
0x86: {  	_ =	shalt  }
0x87: {  	_ =	shalt  }
.Lfunc_end0:
.L_simem_size_0:
called_computation_lowered:
.L_overlay_start_0:
0x88: {  	s2 =	sld [smem:$0x3FD9]  }
0x89: {  	s3 =	sld [smem:$0x3FFE];
	_ =	sdelay $0x1  }
0x8a: {  	s1 =	srdreg.scid  }
0x8b: {  	s0 =	sand.u32 $0x1, s1  }
0x8c: {  	s16 =	sshll.u32 s0, $0xA;
	s2 =	sadd.s32 s3, s2  }
0x8d: {  	s2 =	sadd.s32 s2, s16  }
0x8e: {  	[smem:$0x3FC0] =	sst s2  }
0x8f: {  	_ = 	snop  }
0x90: {  	(tm) =	ssettm $0x1  }
0x91: {  	s17 =	sld [smem:$0x3FFB];
	_ =	sdelay $0x3  }
0x92: {  	_ =	strace s17  }
0x93: {  	s2 =	sld [smem:$0x3FFC];
	_ =	sdelay $0x3  }
0x94: {  	_ =	strace s2  }
0x95: {  	s2 =	sld [smem:$0x3FFD];
	_ =	sdelay $0x3  }
0x96: {  	_ =	strace s2  }
0x97: {  	_ =	strace $0x8FFFFFFF  }
0x98: {  	s18 =	sld [smem:$0x3FDB];
	_ =	sdelay $0x1  }
0x99: {  	s19 =	simm.s32 $_scs_section_size  }
0x9a: {  	s4 =	simm.s32 $_size__tile_overlayer_lowered;
	s5 =	simm.s32 $_tile_overlayer_lowered  }
0x9b: {  	s22 =	simm.s32 $0x1BFF;
	s21 =	sshll.u32 s5, $0x1;
	s2 =	sadd.s32 s19, s18  }
0x9c: {  	s6 =	simm.s32 $0x0;
	s20 =	sshll.u32 s4, $0x1;
	s4 =	sadd.s32 s21, s2  }
0x9d: {  	[timem:s6], [sflag:s22] =	dma.local [hbm:s4], s20  }
0x9e: {  	_ =	swait.ge [sflag:s22], s20  }
0x9f: {  	s3 =	ssub.s32 $0x0, s20;
	[sflag:s22] =	ssyncset.done $0x0  }
0xa0: {  	[sflag:s22] =	ssyncadd.s32 s3;
	_ =	sdelay $0x1  }
0xa1: {  	s23 =	simm.s32 $0x1B8B  }
0xa2: {  	_ =	swait.ge [sflag:s23], $0x1  }
0xa3: {  	[sflag:s23] =	ssyncset.done $0x0  }
0xa4: {  	s25 =	simm.s32 $0x1B8E;
	s24 =	sld [smem:$0x3FFE];
	[sflag:s23] =	ssyncadd.s32 $0xFFFFFFFF  }
0xa5: {  	s26 =	simm.s32 $execute0_lowered;
	[smem:$0x3FD2] =	sst s25  }
0xa6: {  	s4 =	sshll.u32 s26, $0x1;
	_ =	strace $0x80000046;
	[dreg:$0x1] =	wrdreg $0xFFFFFFFF  }
0xa7: {  	s28 =	simm.s32 $_size_execute0_lowered;
	s2 =	sadd.s32 s2, s4;
	[dreg:$0x0] =	wrdreg $0x0  }
0xa8: {  	s4 =	sshll.u32 s28, $0x1;
	[dreg:$0x2] =	wrdreg s2  }
0xa9: {  	[dreg:$0x3] =	wrdreg s4  }
0xaa: {  	[dreg:$0x4] =	wrdreg $0xC0  }
0xab: {  	_ =	task [dreg:s6], $0x5FFFF  }
0xac: {  	[dreg:$0x1] =	wrdreg $0xFFFFFFFF  }
0xad: {  	[dreg:$0x0] =	wrdreg $0x60  }
0xae: {  	[dreg:$0x2] =	wrdreg s24  }
0xaf: {  	[dreg:$0x3] =	wrdreg $0x186A00  }
0xb0: {  	[dreg:$0x4] =	wrdreg $0x1AE200  }
0xb1: {  	[dreg:$0x5] =	wrdreg $0x9  }
0xb2: {  	_ =	task.clear_ibuf [dreg:s6], $0x6FFFF;
	_ =	strace $0x90000046  }
0xb3: {  	s29 =	simm.s32 $0x9;
	_ =	strace $0x80000048  }
0xb4: {  	_ =	swait.ge [sflag:s29], $0x1  }
0xb5: {  	[sflag:s29] =	ssyncadd.s32 $0xFFFFFFFF  }
0xb6: {  	_ =	strace $0x90000048  }
0xb7: {  	_ =	sfence  }
0xb8: {  	s30 =	sld [smem:$0x0];
	_ =	sdelay $0x2  }
0xb9: {  	s31 =	sshll.u32 s1, $0xD;
	s1 =	sshrl.u32 s1, $0x2  }
0xba: {  	s3 =	sand.u32 $0x4000, s31;
	s1 =	sadd.s32 s1, s30  }
0xbb: {  	s0 =	sor.u32 s3, s0;
	s1 =	sshll.u32 s1, $0x11  }
0xbc: {  	s0 =	sor.u32 s1, s0  }
0xbd: {  	s0 =	sadd.s32 $0x8F2B, s0  }
0xbe: {  	[sflag:s0] =	ssyncadd.remote.s32 $0x1  }
0xbf: {  	_ =	sfence.sel $0xFFFF  }
0xc0: {  	[dreg:$0x0] =	wrdreg $0xFFFFFFFF;
	(pc) =	sbr.abs _section_cstart, $3  }
0xc1: {  	[dreg:$0x1] =	wrdreg $0xFFFFFFFF  }
0xc2: {  	_ =	task.clear_ibuf [dreg:s6], $0x2FFFF;
	_ =	strace $0x9FFFFFFF  }
0xc3: {  	(tm) =	ssettm $0x7FFFFFFF  }
tec
execute0_lowered:
.L_overlay_start_1:
0x0: {  	(tag) =	ssettag $0x1  }
0x1: {  	s17 =	rddreg [dreg:$0x0]  }
0x2: {  	s2 =	rddreg [dreg:$0x1]  }
0x3: {  	s3 =	rddreg [dreg:$0x2]  }
0x4: {  	s0 =	stileid.u32;
	s1 =	rddreg [dreg:$0x3]  }
0x5: {  	s4 =	simm.s32 $0x0;
	s5 =	srdreg.scid;
	s18 =	smul.u32 $0x2780, s0  }
0x6: {  	[smem:$0x7FF] =	sst s4;
	s19 =	sand.u32 $0x1, s5;
	s28 =	sshll.u32 s0, $0x6  }
0x7: {  	_ =	strace $0x80000047;
	s10 =	sshll.u32 s19, $0x4;
	s6 =	sshrl.u32 s18, $0x3  }
0x8: {  	s7 =	sadd.s32 s18, s2;
	s9 =	sadd.s32 s6, s17;
	s6 =	sor.u32 $0x1C01, s28  }
0x9: {  	s8 =	sshrl.u32 s7, $0x3;
	s7 =	simm.s32 $0x1;
	s5 =	sadd.s32 $0x19E00, s9  }
0xa: {  	[spmem:s8], [sflag:s6] =	dma.local [hbm:s5], $0x4F0  }
0xb: {  	s10 =	sor.u32 s0, s10;
	_ =	swait.ge [sflag:s7], $0x4F0  }
0xc: {  	s29 =	sadd.s32 s18, s3;
	s11 =	smul.u32 $0x2710, s10;
	[sflag:s7] =	ssyncset.done $0x0  }
0xd: {  	s10 =	sshrl.u32 s29, $0x3;
	s9 =	sadd.s32 $0x14E00, s9;
	[sflag:s7] =	ssyncadd.s32 $0xFFFFFB10  }
0xe: {  	[spmem:s10], [sflag:s6] =	dma.local [hbm:s9], $0x4F0  }
0xf: {  	s11 =	sshrl.u32 s11, $0x3;
	_ =	swait.ge [sflag:s7], $0x4F0  }
0x10: {  	s12 =	sadd.s32 s11, s17;
	[sflag:s7] =	ssyncset.done $0x0  }
0x11: {  	s11 =	sadd.s32 $0x1400, s12;
	[sflag:s7] =	ssyncadd.s32 $0xFFFFFB10  }
0x12: {  	[tilespmem:s4], [sflag:$0x1] =	stream.linear.gather [hbm4b:s11+s4], $0x2710, $0x38;
	[tilespmem:$0x1D5A0] =	vst v63  }
0x13: {  	_ =	swait.ge [sflag:s7], $0x2710  }
0x14: {  	[sflag:s7] =	ssyncset.done $0x0  }
0x15: {  	s13 =	simm.s32 $0x2710;
	s12 =	sadd.s32 $0xB040, s12;
	[sflag:s7] =	ssyncadd.s32 $0xFFFFD8F0  }
0x16: {  	[tilespmem:s13], [sflag:$0x1] =	stream.linear.gather [hbm4b:s12+s4], $0x2710, $0x38;
	[tilespmem:$0x1D5A0] =	vst v63  }
0x17: {  	_ =	swait.ge [sflag:s7], $0x2710  }
0x18: {  	[sflag:s7] =	ssyncset.done $0x0  }
0x19: {  	[sflag:s7] =	ssyncadd.s32 $0xFFFFD8F0  }
0x1a: {  	s14 =	simm.s32 $0x1388;
	s15 =	simm.s32 $0x4E20;
	[bflag:$0x0] =	sbarrier.arrive $0xFFFF  }
0x1b: {  	[tilespmem:s15], [sflag:$0x1] =	stream.indirect.gather [spmem:s3], $0x10, s4, s14, $0xb8;
	[tilespmem:$0x1D5A0] =	vst v63  }
0x1c: {  	_ =	swait.ge [sflag:s7], $0x13880  }
0x1d: {  	[sflag:s7] =	ssyncset.done $0x0  }
0x1e: {  	[sflag:s7] =	ssyncadd.s32 $0xFFFEC780  }
0x1f: {  	[spmem:s2] =	stream.indirect.scatter.add.f32 [tilespmem:s15], [sflag:$0x1], $0x10, s13, s14, $0xb8;
	[tilespmem:$0x1D5A0] =	vst v63  }
0x20: {  	_ =	swait.ge [sflag:s7], $0x13880  }
0x21: {  	[sflag:s7] =	ssyncset.done $0x0  }
0x22: {  	s20 =	smul.u32 $0x27800, s19;
	[sflag:s7] =	ssyncadd.s32 $0xFFFEC780  }
0x23: {  	[tilespmem:s15], [sflag:$0x1] =	stream.indirect.gather [spmem:s3], $0x10, s14, s14, $0xb8;
	[tilespmem:$0x1D5A0] =	vst v63  }
0x24: {  	s16 =	simm.s32 $0x3A98;
	s19 =	ssub.s32 $0x2, s19;
	_ =	swait.ge [sflag:s7], $0x13880  }
0x25: {  	s30 =	sshrl.u32 s19, $0x1;
	s18 =	sadd.s32 s18, s20;
	[sflag:s7] =	ssyncset.done $0x0  }
0x26: {  	s31 =	ssub.s32 s19, s30;
	s18 =	sshrl.u32 s18, $0x3;
	[sflag:s7] =	ssyncadd.s32 $0xFFFEC780  }
0x27: {  	[spmem:s2] =	stream.indirect.scatter.add.f32 [tilespmem:s15], [sflag:$0x1], $0x10, s16, s14, $0xb8;
	[tilespmem:$0x1D5A0] =	vst v63  }
0x28: {  	s17 =	sadd.s32 s18, s17;
	s18 =	smax.u32 s31, $0x1;
	_ =	swait.ge [sflag:s7], $0x13880  }
0x29: {  	p0 =	sne.s32 s18, $0x1;
	[sflag:s7] =	ssyncset.done $0x0  }
.Ltmp0:
0x2a: {  	[sflag:s7] =	ssyncadd.s32 $0xFFFEC780;
	(pc) =	sbr.rel @!p0 .LBB2_2-.Ltmp0, $4  }
0x2b: {  	s17 =	sadd.s32 $0x1EE00, s17;
	[bflag:$0x0] =	sbarrier.arrive $0xFFFF  }
0x2c: {  	[hbm:s17], [sflag:s6] =	dma.local [spmem:s8], $0x4F0  }
0x2d: {  	_ =	swait.ge [sflag:s7], $0x4F0  }
0x2e: {  	s18 =	sadd.s32 $0xFFFFFFFF, s18;
	[sflag:s7] =	ssyncset.done $0x0  }
.LBB2_1:
0x2f: {  	p0 =	sne.s32 s18, $0x1;
	s18 =	sadd.s32 $0xFFFFFFFF, s18;
	[sflag:s7] =	ssyncadd.s32 $0xFFFFFB10  }
0x30: {  	[spmem:s8], [sflag:s6] =	dma.local [hbm:s5], $0x4F0  }
0x31: {  	_ =	swait.ge [sflag:s7], $0x4F0  }
0x32: {  	[sflag:s7] =	ssyncset.done $0x0  }
0x33: {  	[sflag:s7] =	ssyncadd.s32 $0xFFFFFB10  }
0x34: {  	[spmem:s10], [sflag:s6] =	dma.local [hbm:s9], $0x4F0  }
0x35: {  	_ =	swait.ge [sflag:s7], $0x4F0  }
0x36: {  	[sflag:s7] =	ssyncset.done $0x0  }
0x37: {  	[sflag:s7] =	ssyncadd.s32 $0xFFFFFB10  }
0x38: {  	[tilespmem:s4], [sflag:$0x1] =	stream.linear.gather [hbm4b:s11+s4], $0x2710, $0x38;
	[tilespmem:$0x1D5A0] =	vst v63  }
0x39: {  	_ =	swait.ge [sflag:s7], $0x2710  }
0x3a: {  	[sflag:s7] =	ssyncset.done $0x0  }
0x3b: {  	[sflag:s7] =	ssyncadd.s32 $0xFFFFD8F0  }
0x3c: {  	[tilespmem:s13], [sflag:$0x1] =	stream.linear.gather [hbm4b:s12+s4], $0x2710, $0x38;
	[tilespmem:$0x1D5A0] =	vst v63  }
0x3d: {  	_ =	swait.ge [sflag:s7], $0x2710  }
0x3e: {  	[sflag:s7] =	ssyncset.done $0x0  }
0x3f: {  	[sflag:s7] =	ssyncadd.s32 $0xFFFFD8F0  }
0x40: {  	[bflag:$0x0] =	sbarrier.arrive $0xFFFF  }
0x41: {  	[tilespmem:s15], [sflag:$0x1] =	stream.indirect.gather [spmem:s3], $0x10, s4, s14, $0xb8;
	[tilespmem:$0x1D5A0] =	vst v63  }
0x42: {  	_ =	swait.ge [sflag:s7], $0x13880  }
0x43: {  	[sflag:s7] =	ssyncset.done $0x0  }
0x44: {  	[sflag:s7] =	ssyncadd.s32 $0xFFFEC780  }
0x45: {  	[spmem:s2] =	stream.indirect.scatter.add.f32 [tilespmem:s15], [sflag:$0x1], $0x10, s13, s14, $0xb8;
	[tilespmem:$0x1D5A0] =	vst v63  }
0x46: {  	_ =	swait.ge [sflag:s7], $0x13880  }
0x47: {  	[sflag:s7] =	ssyncset.done $0x0  }
0x48: {  	[sflag:s7] =	ssyncadd.s32 $0xFFFEC780  }
0x49: {  	[tilespmem:s15], [sflag:$0x1] =	stream.indirect.gather [spmem:s3], $0x10, s14, s14, $0xb8;
	[tilespmem:$0x1D5A0] =	vst v63  }
0x4a: {  	_ =	swait.ge [sflag:s7], $0x13880  }
0x4b: {  	[sflag:s7] =	ssyncset.done $0x0  }
0x4c: {  	[sflag:s7] =	ssyncadd.s32 $0xFFFEC780  }
0x4d: {  	[spmem:s2] =	stream.indirect.scatter.add.f32 [tilespmem:s15], [sflag:$0x1], $0x10, s16, s14, $0xb8;
	[tilespmem:$0x1D5A0] =	vst v63  }
0x4e: {  	_ =	swait.ge [sflag:s7], $0x13880  }
0x4f: {  	[sflag:s7] =	ssyncset.done $0x0  }
.Ltmp1:
0x50: {  	[sflag:s7] =	ssyncadd.s32 $0xFFFEC780;
	(pc) =	sbr.rel @p0 .LBB2_1-.Ltmp1, $4  }
0x51: {  	[bflag:$0x0] =	sbarrier.arrive $0xFFFF  }
0x52: {  	[hbm:s17], [sflag:s6] =	dma.local [spmem:s8], $0x4F0  }
0x53: {  	_ =	swait.ge [sflag:s7], $0x4F0  }
0x54: {  	[sflag:s7] =	ssyncset.done $0x0  }
.LBB2_2:
0x55: {  	[sflag:s7] =	ssyncadd.s32 $0xFFFFFB10  }
0x56: {  	_ =	sfence.sel $0x180000  }
0x57: {  	[bflag:$0x0] =	sbarrier.arrive $0xFFFF  }
0x58: {  	p0 =	sne.s32 s0, $0x0;
	_ =	strace $0x90000047  }
0x59: {  	s0 =	sadd.s32 @!p0 $0x100000, s1;
	[bflag:$0x2] =	sbarrier.arrive $0xFFFF  }
0x5a: {  	[sflag:s0] =	ssyncadd.tile.s32 @!p0 $0x1;
	_ =	shalt  }
.Lfunc_end2:
_tile_overlayer_lowered:
.L_overlay_start_2:
0x5b: {  	(tag) =	ssettag $0x2  }
0x5c: {  	s0 =	rddreg [dreg:$0x0];
	s2 =	stileid.u32  }
0x5d: {  	s1 =	rddreg [dreg:$0x1];
	p0 =	sne.s32 s2, $0x0  }
0x5e: {  	s3 =	rddreg [dreg:$0x2];
	[bflag:$0x3] =	sbarrier.arrive $0xFFFF;
	s2 =	simm.s32 @!p0 $0x1C01  }
0x5f: {  	[timem:s3], [sflag:s2] =	dma.local @!p0 [hbm:s0], s1  }
0x60: {  	s0 =	simm.s32 @!p0 $0x1  }
0x61: {  	_ =	swait.ge @!p0 [sflag:s0], s1  }
0x62: {  	s1 =	ssub.s32 @!p0 $0x0, s1;
	[sflag:s0] =	ssyncset.done @!p0 $0x0  }
0x63: {  	[sflag:s0] =	ssyncadd.s32 @!p0 s1  }
0x64: {  	[bflag:$0x3] =	sbarrier.arrive $0xFFFF  }
0x65: {  	_ =	shalt  }

</sc_bundles>
